<compile_context>
chip_gen: v7x
topology: tpu7x:2x2x1
jax: 0.10.2.dev20260603
libtpu: 0.0.44.dev20260713+nightly
codegen_flags: <defaults>
</compile_context>

<pallas_src>
import functools

import jax
import jax.numpy as jnp
from jax import lax
from jax.experimental import pallas as pl
from jax.experimental.pallas import tpu as pltpu
from jax.experimental.pallas import tpu_sc as plsc

B, C, H, W = 8, 19, 512, 512
HW = H * W
SMOOTHING = 0.1
EPS = SMOOTHING / (C - 1)
CONF_EPS = (1.0 - SMOOTHING) - EPS
HC = 4
PIX = HC * W
L = 16
LN2 = 0.6931471805599453
MMASK = 0x007FFFFF
MONE = 0x3F800000


def _polylog(s):
    bits = lax.bitcast_convert_type(s, jnp.int32)
    e = ((bits >> 23) & 0xFF) - 127
    mant = lax.bitcast_convert_type((bits & MMASK) | MONE, jnp.float32)
    t = (mant - 1.0) / (mant + 1.0)
    t2 = t * t
    p = t * (2.0 + t2 * (2.0 / 3.0 + t2 * (2.0 / 5.0 + t2 * (2.0 / 7.0))))
    return e.astype(jnp.float32) * LN2 + p


def _make_sc_loss():
    info = plsc.get_sparse_core_info()
    nw = info.num_cores * info.num_subcores
    nch = H // HC
    chunks = B * nch
    cpw = chunks // nw
    mesh = plsc.VectorSubcoreMesh(core_axis_name="c", subcore_axis_name="s")

    @functools.partial(
        pl.kernel,
        mesh=mesh,
        out_type=jax.ShapeDtypeStruct((nw, L), jnp.float32),
        scratch_types=[
            pltpu.VMEM((C, HC, W), jnp.float32),
            pltpu.VMEM((C, HC, W), jnp.float32),
            pltpu.VMEM((PIX,), jnp.int32),
            pltpu.VMEM((PIX,), jnp.int32),
            pltpu.VMEM((L,), jnp.float32),
            pltpu.SemaphoreType.DMA,
            pltpu.SemaphoreType.DMA,
        ],
    )
    def sc_loss(pred_hbm, targ_hbm, out_hbm,
                pbufa, pbufb, tbufa, tbufb, obuf,
                sema, semb):
        wid = lax.axis_index("s") * info.num_cores + lax.axis_index("c")
        zero = jnp.zeros((L,), jnp.float32)
        base_chunk = wid * cpw

        def _copies(chunk, pbuf, tbuf, sem, op):
            b = chunk // nch
            h0 = (chunk % nch) * HC
            op(pred_hbm.at[b, :, pl.ds(h0, HC), :], pbuf, sem)
            op(targ_hbm.at[pl.ds(b * HW + h0 * W, PIX)], tbuf, sem)

        def fire(chunk, pbuf, tbuf, sem):
            _copies(chunk, pbuf, tbuf, sem,
                    lambda s_, d_, m_: pltpu.async_copy(s_, d_, m_))

        def drain(chunk, pbuf, tbuf, sem):
            _copies(chunk, pbuf, tbuf, sem,
                    lambda s_, d_, m_: pltpu.make_async_copy(s_, d_, m_).wait())

        def run_chunk(chunk, pbuf, tbuf, carry):
            @plsc.parallel_loop(0, PIX // L, unroll=2, carry=carry)
            def _wg(g, c4):
                pa, sa, ea, pm = c4
                hh = g >> 5
                w0 = (g & 31) * L
                t = tbuf[pl.ds(g * L, L)]
                s_p = [None] * 4
                sp_p = [None] * 4
                xs = []
                for c in range(C):
                    x = pbuf[c, hh, pl.ds(w0, L)]
                    e = jnp.exp(x)
                    i = c & 3
                    s_p[i] = e if s_p[i] is None else s_p[i] + e
                    sp_p[i] = x if sp_p[i] is None else sp_p[i] + x
                    xs.append(x)
                s = (s_p[0] + s_p[1]) + (s_p[2] + s_p[3])
                sp = (sp_p[0] + sp_p[1]) + (sp_p[2] + sp_p[3])
                ms = [(t & (1 << bb)) > 0 for bb in range(5)]
                y = [jnp.where(ms[0], xs[2 * k + 1], xs[2 * k])
                     for k in range(9)] + [xs[18]]
                z = [jnp.where(ms[1], y[2 * k + 1], y[2 * k])
                     for k in range(5)]
                w = [jnp.where(ms[2], z[1], z[0]),
                     jnp.where(ms[2], z[3], z[2])]
                pt = jnp.where(ms[4], z[4], jnp.where(ms[3], w[1], w[0]))
                bits = lax.bitcast_convert_type(s, jnp.int32)
                ea = ea + (bits >> 23)
                m = lax.bitcast_convert_type((bits & MMASK) | MONE, jnp.float32)
                pm2 = pm * m
                b2 = lax.bitcast_convert_type(pm2, jnp.int32)
                ea = ea + (b2 >> 23)
                pm = lax.bitcast_convert_type((b2 & MMASK) | MONE, jnp.float32)
                return (pa + pt, sa + sp, ea, pm)

            return _wg

        fire(base_chunk, pbufa, tbufa, sema)
        fire(base_chunk + 1, pbufb, tbufb, semb)

        def outer(j, carry):
            for k, (pbuf, tbuf, sem) in enumerate(
                    ((pbufa, tbufa, sema), (pbufb, tbufb, semb))):
                chunk = base_chunk + 2 * j + k
                drain(chunk, pbuf, tbuf, sem)
                carry = run_chunk(chunk, pbuf, tbuf, carry)

                @pl.when(2 * j + k + 2 < cpw)
                def _():
                    fire(chunk + 2, pbuf, tbuf, sem)
            return carry

        izero = jnp.zeros((L,), jnp.int32)
        one = jnp.full((L,), 1.0, jnp.float32)
        ptacc, spacc, eacc, pmacc = lax.fori_loop(
            0, cpw // 2, outer, (zero, zero, izero, one))
        ngroups = cpw * (PIX // L)
        lacc = _polylog(pmacc) + LN2 * (
            eacc.astype(jnp.float32) - 127.0 * (2 * ngroups))
        obuf[...] = lacc - CONF_EPS * ptacc - EPS * spacc
        pltpu.sync_copy(obuf, out_hbm.at[wid])

    return sc_loss


_sc_loss = _make_sc_loss()


@jax.jit
def kernel(pred, target):
    parts = _sc_loss(pred, target.reshape(-1))
    return jnp.sum(parts) / jnp.float32(B * H * W)

# --- scband reference (transcript-rebuilt; emitter-appended) ---
"""Pipeline reference for scband-label-smoothing-loss-1649267441780 (READ-ONLY COPY).

The authoritative reference and input builder live on the scoring server;
editing this copy changes nothing except your own understanding.
"""

import jax, jax.numpy as jnp
import numpy as np

CLASSES = 19
SMOOTHING = 0.1
CONFIDENCE = 1.0 - SMOOTHING
IGNORE_INDEX = 255


def setup_inputs(seed: int = 0) -> dict:
    key = jax.random.key(seed)
    k1, k2 = jax.random.split(key)
    pred = jax.random.normal(k1, (8, 19, 512, 512), dtype=jnp.float32)
    target = jax.random.randint(k2, (8, 512, 512), 0, CLASSES, dtype=jnp.int64 if jax.config.jax_enable_x64 else jnp.int32).astype(jnp.int32)
    return {"pred": pred, "target": target}


def reference(pred, target):
    # pred: [B, C, H, W] -> permute to [B, H, W, C]
    p = jnp.transpose(pred, (0, 2, 3, 1))
    logp = jax.nn.log_softmax(p, axis=-1)
    # build smoothed true distribution (no-grad branch in torch; depends only on int target)
    mask = target != IGNORE_INDEX
    t = (target * mask.astype(target.dtype)).astype(jnp.int32)
    true_dist = jnp.full(logp.shape, SMOOTHING / (CLASSES - 1), dtype=logp.dtype)
    one_hot = jax.nn.one_hot(t, CLASSES, dtype=jnp.bool_)
    # scatter_-style overwrite of confidence at target class
    true_dist = jnp.where(one_hot, jnp.asarray(CONFIDENCE, dtype=logp.dtype), true_dist)
    true_dist = true_dist * mask[..., None].astype(logp.dtype)
    return jnp.mean(jnp.sum(-true_dist * logp, axis=-1))

if __name__ == "__main__":
    import jax
    _d = setup_inputs()
    print(jax.jit(kernel)(*tuple(_d.values())))

</pallas_src>

<mosaic_0001>
#map = affine_map<(d0, d1) -> (0, 0, 0, 0)>
#map1 = affine_map<(d0, d1) -> (0)>
#map2 = affine_map<(d0, d1) -> (0, 0)>
module attributes {stable_mosaic.version = 14 : i64} {
  func.func @sc_loss(%arg0: i32, %arg1: i32, %arg2: memref<8x19x512x512xf32, #tpu.memory_space<hbm>>, %arg3: memref<2097152xi32, #tpu.memory_space<hbm>>, %arg4: memref<32x16xf32, #tpu.memory_space<hbm>>, %arg5: memref<19x4x512xf32, #tpu.memory_space<vmem>>, %arg6: memref<19x4x512xf32, #tpu.memory_space<vmem>>, %arg7: memref<2048xi32, #tpu.memory_space<vmem>>, %arg8: memref<2048xi32, #tpu.memory_space<vmem>>, %arg9: memref<16xf32, #tpu.memory_space<vmem>>, %arg10: memref<!tpu.dma_semaphore, #tpu.memory_space<semaphore_mem>>, %arg11: memref<!tpu.dma_semaphore, #tpu.memory_space<semaphore_mem>>) attributes {dimension_semantics = [#tpu.dimension_semantics<core_parallel>, #tpu.dimension_semantics<subcore_parallel>], iteration_bounds = array<i64: 2, 16>, scalar_prefetch = 0 : i64, scratch_operands = 7 : i64, tpu.core_type = #tpu.core_type<sc_vector_subcore>, window_params = [{transform_indices = #map}, {transform_indices = #map1}, {transform_indices = #map2}]} {
    %mul3A = arith.constant 2 : i32
    %mul3A_0 = arith.muli %arg1, %mul3A : i32
    %add3A = arith.addi %mul3A_0, %arg0 : i32
    %broadcast_in_dim3A = arith.constant 0.000000e+00 : f32
    %broadcast_in_dim3A_1 = vector.broadcast %broadcast_in_dim3A : f32 to vector<16xf32>
    %mul3A_2 = arith.constant 32 : i32
    %mul3A_3 = arith.muli %add3A, %mul3A_2 : i32
    %jit3A = arith.constant 128 : i32
    %div3A = arith.divsi %mul3A_3, %jit3A : i32
    %sign3A = arith.constant 0 : i32
    %sign3A_4 = arith.cmpi sgt, %mul3A_3, %sign3A : i32
    %sign3A_5 = arith.extui %sign3A_4 : i1 to i32
    %sign3A_6 = arith.constant 0 : i32
    %sign3A_7 = arith.cmpi slt, %mul3A_3, %sign3A_6 : i32
    %sign3A_8 = arith.extui %sign3A_7 : i1 to i32
    %sign3A_9 = arith.subi %sign3A_5, %sign3A_8 : i32
    %sign3A_10 = arith.constant 0 : i32
    %sign3A_11 = arith.cmpi sgt, %jit3A, %sign3A_10 : i32
    %sign3A_12 = arith.extui %sign3A_11 : i1 to i32
    %sign3A_13 = arith.constant 0 : i32
    %sign3A_14 = arith.cmpi slt, %jit3A, %sign3A_13 : i32
    %sign3A_15 = arith.extui %sign3A_14 : i1 to i32
    %sign3A_16 = arith.subi %sign3A_12, %sign3A_15 : i32
    %ne3A = arith.cmpi ne, %sign3A_9, %sign3A_16 : i32
    %rem3A = arith.remsi %mul3A_3, %jit3A : i32
    %ne3A_17 = arith.constant 0 : i32
    %ne3A_18 = arith.cmpi ne, %rem3A, %ne3A_17 : i32
    %and3A = arith.andi %ne3A, %ne3A_18 : i1
    %sub3A = arith.constant 1 : i32
    %sub3A_19 = arith.subi %div3A, %sub3A : i32
    %select_n3A = arith.select %and3A, %sub3A_19, %div3A : i32
    %jit3A_20 = arith.constant 128 : i32
    %eq3A = arith.constant 0 : i32
    %eq3A_21 = arith.cmpi eq, %jit3A_20, %eq3A : i32
    %jit3A_22 = arith.constant 1 : i32
    %select_n3A_23 = arith.select %eq3A_21, %jit3A_22, %jit3A_20 : i32
    %rem3A_24 = arith.remsi %mul3A_3, %select_n3A_23 : i32
    %ne3A_25 = arith.constant 0 : i32
    %ne3A_26 = arith.cmpi ne, %rem3A_24, %ne3A_25 : i32
    %lt3A = arith.constant 0 : i32
    %lt3A_27 = arith.cmpi slt, %rem3A_24, %lt3A : i32
    %lt3A_28 = arith.constant 0 : i32
    %lt3A_29 = arith.cmpi slt, %select_n3A_23, %lt3A_28 : i32
    %ne3A_30 = arith.xori %lt3A_27, %lt3A_29 : i1
    %and3A_31 = arith.andi %ne3A_30, %ne3A_26 : i1
    %add3A_32 = arith.addi %rem3A_24, %select_n3A_23 : i32
    %select_n3A_33 = arith.select %and3A_31, %add3A_32, %rem3A_24 : i32
    %mul3A_34 = arith.constant 4 : i32
    %mul3A_35 = arith.muli %select_n3A_33, %mul3A_34 : i32
    %dma_start3A = arith.constant 0 : i32
    %dma_start3A_36 = arith.constant 0 : i32
    %dma_start3A_37 = tpu.memref_slice %arg2[%select_n3A, %dma_start3A, %mul3A_35, %dma_start3A_36] : memref<8x19x512x512xf32, #tpu.memory_space<hbm>> -> memref<1x19x4x512xf32, #tpu.memory_space<hbm>>
    %dma_start3A_38 = tpu.memref_squeeze %dma_start3A_37 : memref<1x19x4x512xf32, #tpu.memory_space<hbm>> -> memref<19x4x512xf32, #tpu.memory_space<hbm>>
    %dma_start3A_39 = arith.constant 0 : i32
    %dma_start3A_40 = arith.constant 0 : i32
    %dma_start3A_41 = tpu.memref_slice %arg2[%select_n3A, %dma_start3A_39, %mul3A_35, %dma_start3A_40] : memref<8x19x512x512xf32, #tpu.memory_space<hbm>> -> memref<1x19x4x512xf32, #tpu.memory_space<hbm>>
    %dma_start3A_42 = tpu.memref_squeeze %dma_start3A_41 : memref<1x19x4x512xf32, #tpu.memory_space<hbm>> -> memref<19x4x512xf32, #tpu.memory_space<hbm>>
    tpu.enqueue_dma source(%dma_start3A_42 : memref<19x4x512xf32, #tpu.memory_space<hbm>>) target(%arg5 : memref<19x4x512xf32, #tpu.memory_space<vmem>>) target_semaphore(%arg10 : memref<!tpu.dma_semaphore, #tpu.memory_space<semaphore_mem>>)
    %mul3A_43 = arith.constant 262144 : i32
    %mul3A_44 = arith.muli %select_n3A, %mul3A_43 : i32
    %mul3A_45 = arith.constant 512 : i32
    %mul3A_46 = arith.muli %mul3A_35, %mul3A_45 : i32
    %add3A_47 = arith.addi %mul3A_44, %mul3A_46 : i32
    %dma_start3A_48 = tpu.memref_slice %arg3[%add3A_47] : memref<2097152xi32, #tpu.memory_space<hbm>> -> memref<2048xi32, #tpu.memory_space<hbm>>
    %dma_start3A_49 = tpu.memref_slice %arg3[%add3A_47] : memref<2097152xi32, #tpu.memory_space<hbm>> -> memref<2048xi32, #tpu.memory_space<hbm>>
    tpu.enqueue_dma source(%dma_start3A_49 : memref<2048xi32, #tpu.memory_space<hbm>>) target(%arg7 : memref<2048xi32, #tpu.memory_space<vmem>>) target_semaphore(%arg10 : memref<!tpu.dma_semaphore, #tpu.memory_space<semaphore_mem>>)
    %add3A_50 = arith.constant 1 : i32
    %add3A_51 = arith.addi %mul3A_3, %add3A_50 : i32
    %jit3A_52 = arith.constant 128 : i32
    %div3A_53 = arith.divsi %add3A_51, %jit3A_52 : i32
    %sign3A_54 = arith.constant 0 : i32
    %sign3A_55 = arith.cmpi sgt, %add3A_51, %sign3A_54 : i32
    %sign3A_56 = arith.extui %sign3A_55 : i1 to i32
    %sign3A_57 = arith.constant 0 : i32
    %sign3A_58 = arith.cmpi slt, %add3A_51, %sign3A_57 : i32
    %sign3A_59 = arith.extui %sign3A_58 : i1 to i32
    %sign3A_60 = arith.subi %sign3A_56, %sign3A_59 : i32
    %sign3A_61 = arith.constant 0 : i32
    %sign3A_62 = arith.cmpi sgt, %jit3A_52, %sign3A_61 : i32
    %sign3A_63 = arith.extui %sign3A_62 : i1 to i32
    %sign3A_64 = arith.constant 0 : i32
    %sign3A_65 = arith.cmpi slt, %jit3A_52, %sign3A_64 : i32
    %sign3A_66 = arith.extui %sign3A_65 : i1 to i32
    %sign3A_67 = arith.subi %sign3A_63, %sign3A_66 : i32
    %ne3A_68 = arith.cmpi ne, %sign3A_60, %sign3A_67 : i32
    %rem3A_69 = arith.remsi %add3A_51, %jit3A_52 : i32
    %ne3A_70 = arith.constant 0 : i32
    %ne3A_71 = arith.cmpi ne, %rem3A_69, %ne3A_70 : i32
    %and3A_72 = arith.andi %ne3A_68, %ne3A_71 : i1
    %sub3A_73 = arith.constant 1 : i32
    %sub3A_74 = arith.subi %div3A_53, %sub3A_73 : i32
    %select_n3A_75 = arith.select %and3A_72, %sub3A_74, %div3A_53 : i32
    %jit3A_76 = arith.constant 128 : i32
    %eq3A_77 = arith.constant 0 : i32
    %eq3A_78 = arith.cmpi eq, %jit3A_76, %eq3A_77 : i32
    %jit3A_79 = arith.constant 1 : i32
    %select_n3A_80 = arith.select %eq3A_78, %jit3A_79, %jit3A_76 : i32
    %rem3A_81 = arith.remsi %add3A_51, %select_n3A_80 : i32
    %ne3A_82 = arith.constant 0 : i32
    %ne3A_83 = arith.cmpi ne, %rem3A_81, %ne3A_82 : i32
    %lt3A_84 = arith.constant 0 : i32
    %lt3A_85 = arith.cmpi slt, %rem3A_81, %lt3A_84 : i32
    %lt3A_86 = arith.constant 0 : i32
    %lt3A_87 = arith.cmpi slt, %select_n3A_80, %lt3A_86 : i32
    %ne3A_88 = arith.xori %lt3A_85, %lt3A_87 : i1
    %and3A_89 = arith.andi %ne3A_88, %ne3A_83 : i1
    %add3A_90 = arith.addi %rem3A_81, %select_n3A_80 : i32
    %select_n3A_91 = arith.select %and3A_89, %add3A_90, %rem3A_81 : i32
    %mul3A_92 = arith.constant 4 : i32
    %mul3A_93 = arith.muli %select_n3A_91, %mul3A_92 : i32
    %dma_start3A_94 = arith.constant 0 : i32
    %dma_start3A_95 = arith.constant 0 : i32
    %dma_start3A_96 = tpu.memref_slice %arg2[%select_n3A_75, %dma_start3A_94, %mul3A_93, %dma_start3A_95] : memref<8x19x512x512xf32, #tpu.memory_space<hbm>> -> memref<1x19x4x512xf32, #tpu.memory_space<hbm>>
    %dma_start3A_97 = tpu.memref_squeeze %dma_start3A_96 : memref<1x19x4x512xf32, #tpu.memory_space<hbm>> -> memref<19x4x512xf32, #tpu.memory_space<hbm>>
    %dma_start3A_98 = arith.constant 0 : i32
    %dma_start3A_99 = arith.constant 0 : i32
    %dma_start3A_100 = tpu.memref_slice %arg2[%select_n3A_75, %dma_start3A_98, %mul3A_93, %dma_start3A_99] : memref<8x19x512x512xf32, #tpu.memory_space<hbm>> -> memref<1x19x4x512xf32, #tpu.memory_space<hbm>>
    %dma_start3A_101 = tpu.memref_squeeze %dma_start3A_100 : memref<1x19x4x512xf32, #tpu.memory_space<hbm>> -> memref<19x4x512xf32, #tpu.memory_space<hbm>>
    tpu.enqueue_dma source(%dma_start3A_101 : memref<19x4x512xf32, #tpu.memory_space<hbm>>) target(%arg6 : memref<19x4x512xf32, #tpu.memory_space<vmem>>) target_semaphore(%arg11 : memref<!tpu.dma_semaphore, #tpu.memory_space<semaphore_mem>>)
    %mul3A_102 = arith.constant 262144 : i32
    %mul3A_103 = arith.muli %select_n3A_75, %mul3A_102 : i32
    %mul3A_104 = arith.constant 512 : i32
    %mul3A_105 = arith.muli %mul3A_93, %mul3A_104 : i32
    %add3A_106 = arith.addi %mul3A_103, %mul3A_105 : i32
    %dma_start3A_107 = tpu.memref_slice %arg3[%add3A_106] : memref<2097152xi32, #tpu.memory_space<hbm>> -> memref<2048xi32, #tpu.memory_space<hbm>>
    %dma_start3A_108 = tpu.memref_slice %arg3[%add3A_106] : memref<2097152xi32, #tpu.memory_space<hbm>> -> memref<2048xi32, #tpu.memory_space<hbm>>
    tpu.enqueue_dma source(%dma_start3A_108 : memref<2048xi32, #tpu.memory_space<hbm>>) target(%arg8 : memref<2048xi32, #tpu.memory_space<vmem>>) target_semaphore(%arg11 : memref<!tpu.dma_semaphore, #tpu.memory_space<semaphore_mem>>)
    %broadcast_in_dim3A_109 = arith.constant 0 : i32
    %broadcast_in_dim3A_110 = vector.broadcast %broadcast_in_dim3A_109 : i32 to vector<16xi32>
    %broadcast_in_dim3A_111 = arith.constant 1.000000e+00 : f32
    %broadcast_in_dim3A_112 = vector.broadcast %broadcast_in_dim3A_111 : f32 to vector<16xf32>
    %scan3A = arith.constant 0 : i32
    %scan3A_113 = arith.constant 16 : i32
    %scan3A_114 = arith.addi %scan3A, %scan3A_113 : i32
    %scan3A_115 = arith.constant 1 : i32
    %scan3A_116:4 = scf.for %scan3A_178 = %scan3A to %scan3A_114 step %scan3A_115 iter_args(%scan3A_179 = %broadcast_in_dim3A_1, %scan3A_180 = %broadcast_in_dim3A_1, %scan3A_181 = %broadcast_in_dim3A_110, %scan3A_182 = %broadcast_in_dim3A_112) -> (vector<16xf32>, vector<16xf32>, vector<16xi32>, vector<16xf32>)  : i32 {
      %mul3A_183 = arith.constant 2 : i32
      %mul3A_184 = arith.muli %mul3A_183, %scan3A_178 : i32
      %add3A_185 = arith.addi %mul3A_3, %mul3A_184 : i32
      %add3A_186 = arith.constant 0 : i32
      %add3A_187 = arith.addi %add3A_185, %add3A_186 : i32
      %jit3A_188 = arith.constant 128 : i32
      %div3A_189 = arith.divsi %add3A_187, %jit3A_188 : i32
      %sign3A_190 = arith.constant 0 : i32
      %sign3A_191 = arith.cmpi sgt, %add3A_187, %sign3A_190 : i32
      %sign3A_192 = arith.extui %sign3A_191 : i1 to i32
      %sign3A_193 = arith.constant 0 : i32
      %sign3A_194 = arith.cmpi slt, %add3A_187, %sign3A_193 : i32
      %sign3A_195 = arith.extui %sign3A_194 : i1 to i32
      %sign3A_196 = arith.subi %sign3A_192, %sign3A_195 : i32
      %sign3A_197 = arith.constant 0 : i32
      %sign3A_198 = arith.cmpi sgt, %jit3A_188, %sign3A_197 : i32
      %sign3A_199 = arith.extui %sign3A_198 : i1 to i32
      %sign3A_200 = arith.constant 0 : i32
      %sign3A_201 = arith.cmpi slt, %jit3A_188, %sign3A_200 : i32
      %sign3A_202 = arith.extui %sign3A_201 : i1 to i32
      %sign3A_203 = arith.subi %sign3A_199, %sign3A_202 : i32
      %ne3A_204 = arith.cmpi ne, %sign3A_196, %sign3A_203 : i32
      %rem3A_205 = arith.remsi %add3A_187, %jit3A_188 : i32
      %ne3A_206 = arith.constant 0 : i32
      %ne3A_207 = arith.cmpi ne, %rem3A_205, %ne3A_206 : i32
      %and3A_208 = arith.andi %ne3A_204, %ne3A_207 : i1
      %sub3A_209 = arith.constant 1 : i32
      %sub3A_210 = arith.subi %div3A_189, %sub3A_209 : i32
      %select_n3A_211 = arith.select %and3A_208, %sub3A_210, %div3A_189 : i32
      %jit3A_212 = arith.constant 128 : i32
      %eq3A_213 = arith.constant 0 : i32
      %eq3A_214 = arith.cmpi eq, %jit3A_212, %eq3A_213 : i32
      %jit3A_215 = arith.constant 1 : i32
      %select_n3A_216 = arith.select %eq3A_214, %jit3A_215, %jit3A_212 : i32
      %rem3A_217 = arith.remsi %add3A_187, %select_n3A_216 : i32
      %ne3A_218 = arith.constant 0 : i32
      %ne3A_219 = arith.cmpi ne, %rem3A_217, %ne3A_218 : i32
      %lt3A_220 = arith.constant 0 : i32
      %lt3A_221 = arith.cmpi slt, %rem3A_217, %lt3A_220 : i32
      %lt3A_222 = arith.constant 0 : i32
      %lt3A_223 = arith.cmpi slt, %select_n3A_216, %lt3A_222 : i32
      %ne3A_224 = arith.xori %lt3A_221, %lt3A_223 : i1
      %and3A_225 = arith.andi %ne3A_224, %ne3A_219 : i1
      %add3A_226 = arith.addi %rem3A_217, %select_n3A_216 : i32
      %select_n3A_227 = arith.select %and3A_225, %add3A_226, %rem3A_217 : i32
      %mul3A_228 = arith.constant 4 : i32
      %mul3A_229 = arith.muli %select_n3A_227, %mul3A_228 : i32
      %dma_wait3A = arith.constant 0 : i32
      %dma_wait3A_230 = arith.constant 0 : i32
      %dma_wait3A_231 = tpu.memref_slice %arg2[%select_n3A_211, %dma_wait3A, %mul3A_229, %dma_wait3A_230] : memref<8x19x512x512xf32, #tpu.memory_space<hbm>> -> memref<1x19x4x512xf32, #tpu.memory_space<hbm>>
      %dma_wait3A_232 = tpu.memref_squeeze %dma_wait3A_231 : memref<1x19x4x512xf32, #tpu.memory_space<hbm>> -> memref<19x4x512xf32, #tpu.memory_space<hbm>>
      %dma_wait3A_233 = arith.constant 0 : i32
      %dma_wait3A_234 = arith.constant 0 : i32
      %dma_wait3A_235 = tpu.memref_slice %arg2[%select_n3A_211, %dma_wait3A_233, %mul3A_229, %dma_wait3A_234] : memref<8x19x512x512xf32, #tpu.memory_space<hbm>> -> memref<1x19x4x512xf32, #tpu.memory_space<hbm>>
      %dma_wait3A_236 = tpu.memref_squeeze %dma_wait3A_235 : memref<1x19x4x512xf32, #tpu.memory_space<hbm>> -> memref<19x4x512xf32, #tpu.memory_space<hbm>>
      tpu.wait_dma2 semaphore(%arg10 : memref<!tpu.dma_semaphore, #tpu.memory_space<semaphore_mem>>) src(%dma_wait3A_236 : memref<19x4x512xf32, #tpu.memory_space<hbm>>) dst(%arg5 : memref<19x4x512xf32, #tpu.memory_space<vmem>>)
      %mul3A_237 = arith.constant 262144 : i32
      %mul3A_238 = arith.muli %select_n3A_211, %mul3A_237 : i32
      %mul3A_239 = arith.constant 512 : i32
      %mul3A_240 = arith.muli %mul3A_229, %mul3A_239 : i32
      %add3A_241 = arith.addi %mul3A_238, %mul3A_240 : i32
      %dma_wait3A_242 = tpu.memref_slice %arg3[%add3A_241] : memref<2097152xi32, #tpu.memory_space<hbm>> -> memref<2048xi32, #tpu.memory_space<hbm>>
      %dma_wait3A_243 = tpu.memref_slice %arg3[%add3A_241] : memref<2097152xi32, #tpu.memory_space<hbm>> -> memref<2048xi32, #tpu.memory_space<hbm>>
      tpu.wait_dma2 semaphore(%arg10 : memref<!tpu.dma_semaphore, #tpu.memory_space<semaphore_mem>>) src(%dma_wait3A_243 : memref<2048xi32, #tpu.memory_space<hbm>>) dst(%arg7 : memref<2048xi32, #tpu.memory_space<vmem>>)
      %parallel_loop3A = arith.constant 0 : i32
      %parallel_loop3A_244 = arith.constant 128 : i32
      %parallel_loop3A_245 = arith.constant 1 : i32
      %parallel_loop3A_246:4 = scf.for %parallel_loop3A_334 = %parallel_loop3A to %parallel_loop3A_244 step %parallel_loop3A_245 iter_args(%parallel_loop3A_335 = %scan3A_179, %parallel_loop3A_336 = %scan3A_180, %parallel_loop3A_337 = %scan3A_181, %parallel_loop3A_338 = %scan3A_182) -> (vector<16xf32>, vector<16xf32>, vector<16xi32>, vector<16xf32>)  : i32 {
        %parallel_loop3A_339 = arith.constant 5 : i32
        %parallel_loop3A_340 = arith.shrsi %parallel_loop3A_334, %parallel_loop3A_339 : i32
        %parallel_loop3A_341 = arith.constant 31 : i32
        %parallel_loop3A_342 = arith.andi %parallel_loop3A_334, %parallel_loop3A_341 : i32
        %parallel_loop3A_343 = arith.constant 16 : i32
        %parallel_loop3A_344 = arith.muli %parallel_loop3A_342, %parallel_loop3A_343 : i32
        %parallel_loop3A_345 = arith.constant 16 : i32
        %parallel_loop3A_346 = arith.muli %parallel_loop3A_334, %parallel_loop3A_345 : i32
        %parallel_loop3A_347 = arith.index_cast %parallel_loop3A_346 : i32 to index
        %parallel_loop3A_348 = tpu.vector_load %arg7[%parallel_loop3A_347] {strides = array<i32>} : memref<2048xi32, #tpu.memory_space<vmem>>, vector<16xi32>,
        %parallel_loop3A_349 = vector.shape_cast %parallel_loop3A_348 : vector<16xi32> to vector<16xi32>
        %parallel_loop3A_350 = arith.constant 0 : i32
        %parallel_loop3A_351 = arith.index_cast %parallel_loop3A_350 : i32 to index
        %parallel_loop3A_352 = arith.index_cast %parallel_loop3A_340 : i32 to index
        %parallel_loop3A_353 = arith.index_cast %parallel_loop3A_344 : i32 to index
        %parallel_loop3A_354 = tpu.vector_load %arg5[%parallel_loop3A_351, %parallel_loop3A_352, %parallel_loop3A_353] {strides = array<i32>} : memref<19x4x512xf32, #tpu.memory_space<vmem>>, vector<1x1x16xf32>,
        %parallel_loop3A_355 = vector.shape_cast %parallel_loop3A_354 : vector<1x1x16xf32> to vector<16xf32>
        %parallel_loop3A_356 = math.exp %parallel_loop3A_355 : vector<16xf32>
        %parallel_loop3A_357 = arith.constant 1 : i32
        %parallel_loop3A_358 = arith.index_cast %parallel_loop3A_357 : i32 to index
        %parallel_loop3A_359 = arith.index_cast %parallel_loop3A_340 : i32 to index
        %parallel_loop3A_360 = arith.index_cast %parallel_loop3A_344 : i32 to index
        %parallel_loop3A_361 = tpu.vector_load %arg5[%parallel_loop3A_358, %parallel_loop3A_359, %parallel_loop3A_360] {strides = array<i32>} : memref<19x4x512xf32, #tpu.memory_space<vmem>>, vector<1x1x16xf32>,
        %parallel_loop3A_362 = vector.shape_cast %parallel_loop3A_361 : vector<1x1x16xf32> to vector<16xf32>
        %parallel_loop3A_363 = math.exp %parallel_loop3A_362 : vector<16xf32>
        %parallel_loop3A_364 = arith.constant 2 : i32
        %parallel_loop3A_365 = arith.index_cast %parallel_loop3A_364 : i32 to index
        %parallel_loop3A_366 = arith.index_cast %parallel_loop3A_340 : i32 to index
        %parallel_loop3A_367 = arith.index_cast %parallel_loop3A_344 : i32 to index
        %parallel_loop3A_368 = tpu.vector_load %arg5[%parallel_loop3A_365, %parallel_loop3A_366, %parallel_loop3A_367] {strides = array<i32>} : memref<19x4x512xf32, #tpu.memory_space<vmem>>, vector<1x1x16xf32>,
        %parallel_loop3A_369 = vector.shape_cast %parallel_loop3A_368 : vector<1x1x16xf32> to vector<16xf32>
        %parallel_loop3A_370 = math.exp %parallel_loop3A_369 : vector<16xf32>
        %parallel_loop3A_371 = arith.constant 3 : i32
        %parallel_loop3A_372 = arith.index_cast %parallel_loop3A_371 : i32 to index
        %parallel_loop3A_373 = arith.index_cast %parallel_loop3A_340 : i32 to index
        %parallel_loop3A_374 = arith.index_cast %parallel_loop3A_344 : i32 to index
        %parallel_loop3A_375 = tpu.vector_load %arg5[%parallel_loop3A_372, %parallel_loop3A_373, %parallel_loop3A_374] {strides = array<i32>} : memref<19x4x512xf32, #tpu.memory_space<vmem>>, vector<1x1x16xf32>,
        %parallel_loop3A_376 = vector.shape_cast %parallel_loop3A_375 : vector<1x1x16xf32> to vector<16xf32>
        %parallel_loop3A_377 = math.exp %parallel_loop3A_376 : vector<16xf32>
        %parallel_loop3A_378 = arith.constant 4 : i32
        %parallel_loop3A_379 = arith.index_cast %parallel_loop3A_378 : i32 to index
        %parallel_loop3A_380 = arith.index_cast %parallel_loop3A_340 : i32 to index
        %parallel_loop3A_381 = arith.index_cast %parallel_loop3A_344 : i32 to index
        %parallel_loop3A_382 = tpu.vector_load %arg5[%parallel_loop3A_379, %parallel_loop3A_380, %parallel_loop3A_381] {strides = array<i32>} : memref<19x4x512xf32, #tpu.memory_space<vmem>>, vector<1x1x16xf32>,
        %parallel_loop3A_383 = vector.shape_cast %parallel_loop3A_382 : vector<1x1x16xf32> to vector<16xf32>
        %parallel_loop3A_384 = math.exp %parallel_loop3A_383 : vector<16xf32>
        %parallel_loop3A_385 = arith.addf %parallel_loop3A_356, %parallel_loop3A_384 : vector<16xf32>
        %parallel_loop3A_386 = arith.addf %parallel_loop3A_355, %parallel_loop3A_383 : vector<16xf32>
        %parallel_loop3A_387 = arith.constant 5 : i32
        %parallel_loop3A_388 = arith.index_cast %parallel_loop3A_387 : i32 to index
        %parallel_loop3A_389 = arith.index_cast %parallel_loop3A_340 : i32 to index
        %parallel_loop3A_390 = arith.index_cast %parallel_loop3A_344 : i32 to index
        %parallel_loop3A_391 = tpu.vector_load %arg5[%parallel_loop3A_388, %parallel_loop3A_389, %parallel_loop3A_390] {strides = array<i32>} : memref<19x4x512xf32, #tpu.memory_space<vmem>>, vector<1x1x16xf32>,
        %parallel_loop3A_392 = vector.shape_cast %parallel_loop3A_391 : vector<1x1x16xf32> to vector<16xf32>
        %parallel_loop3A_393 = math.exp %parallel_loop3A_392 : vector<16xf32>
        %parallel_loop3A_394 = arith.addf %parallel_loop3A_363, %parallel_loop3A_393 : vector<16xf32>
        %parallel_loop3A_395 = arith.addf %parallel_loop3A_362, %parallel_loop3A_392 : vector<16xf32>
        %parallel_loop3A_396 = arith.constant 6 : i32
        %parallel_loop3A_397 = arith.index_cast %parallel_loop3A_396 : i32 to index
        %parallel_loop3A_398 = arith.index_cast %parallel_loop3A_340 : i32 to index
        %parallel_loop3A_399 = arith.index_cast %parallel_loop3A_344 : i32 to index
        %parallel_loop3A_400 = tpu.vector_load %arg5[%parallel_loop3A_397, %parallel_loop3A_398, %parallel_loop3A_399] {strides = array<i32>} : memref<19x4x512xf32, #tpu.memory_space<vmem>>, vector<1x1x16xf32>,
        %parallel_loop3A_401 = vector.shape_cast %parallel_loop3A_400 : vector<1x1x16xf32> to vector<16xf32>
        %parallel_loop3A_402 = math.exp %parallel_loop3A_401 : vector<16xf32>
        %parallel_loop3A_403 = arith.addf %parallel_loop3A_370, %parallel_loop3A_402 : vector<16xf32>
        %parallel_loop3A_404 = arith.addf %parallel_loop3A_369, %parallel_loop3A_401 : vector<16xf32>
        %parallel_loop3A_405 = arith.constant 7 : i32
        %parallel_loop3A_406 = arith.index_cast %parallel_loop3A_405 : i32 to index
        %parallel_loop3A_407 = arith.index_cast %parallel_loop3A_340 : i32 to index
        %parallel_loop3A_408 = arith.index_cast %parallel_loop3A_344 : i32 to index
        %parallel_loop3A_409 = tpu.vector_load %arg5[%parallel_loop3A_406, %parallel_loop3A_407, %parallel_loop3A_408] {strides = array<i32>} : memref<19x4x512xf32, #tpu.memory_space<vmem>>, vector<1x1x16xf32>,
        %parallel_loop3A_410 = vector.shape_cast %parallel_loop3A_409 : vector<1x1x16xf32> to vector<16xf32>
        %parallel_loop3A_411 = math.exp %parallel_loop3A_410 : vector<16xf32>
        %parallel_loop3A_412 = arith.addf %parallel_loop3A_377, %parallel_loop3A_411 : vector<16xf32>
        %parallel_loop3A_413 = arith.addf %parallel_loop3A_376, %parallel_loop3A_410 : vector<16xf32>
        %parallel_loop3A_414 = arith.constant 8 : i32
        %parallel_loop3A_415 = arith.index_cast %parallel_loop3A_414 : i32 to index
        %parallel_loop3A_416 = arith.index_cast %parallel_loop3A_340 : i32 to index
        %parallel_loop3A_417 = arith.index_cast %parallel_loop3A_344 : i32 to index
        %parallel_loop3A_418 = tpu.vector_load %arg5[%parallel_loop3A_415, %parallel_loop3A_416, %parallel_loop3A_417] {strides = array<i32>} : memref<19x4x512xf32, #tpu.memory_space<vmem>>, vector<1x1x16xf32>,
        %parallel_loop3A_419 = vector.shape_cast %parallel_loop3A_418 : vector<1x1x16xf32> to vector<16xf32>
        %parallel_loop3A_420 = math.exp %parallel_loop3A_419 : vector<16xf32>
        %parallel_loop3A_421 = arith.addf %parallel_loop3A_385, %parallel_loop3A_420 : vector<16xf32>
        %parallel_loop3A_422 = arith.addf %parallel_loop3A_386, %parallel_loop3A_419 : vector<16xf32>
        %parallel_loop3A_423 = arith.constant 9 : i32
        %parallel_loop3A_424 = arith.index_cast %parallel_loop3A_423 : i32 to index
        %parallel_loop3A_425 = arith.index_cast %parallel_loop3A_340 : i32 to index
        %parallel_loop3A_426 = arith.index_cast %parallel_loop3A_344 : i32 to index
        %parallel_loop3A_427 = tpu.vector_load %arg5[%parallel_loop3A_424, %parallel_loop3A_425, %parallel_loop3A_426] {strides = array<i32>} : memref<19x4x512xf32, #tpu.memory_space<vmem>>, vector<1x1x16xf32>,
        %parallel_loop3A_428 = vector.shape_cast %parallel_loop3A_427 : vector<1x1x16xf32> to vector<16xf32>
        %parallel_loop3A_429 = math.exp %parallel_loop3A_428 : vector<16xf32>
        %parallel_loop3A_430 = arith.addf %parallel_loop3A_394, %parallel_loop3A_429 : vector<16xf32>
        %parallel_loop3A_431 = arith.addf %parallel_loop3A_395, %parallel_loop3A_428 : vector<16xf32>
        %parallel_loop3A_432 = arith.constant 10 : i32
        %parallel_loop3A_433 = arith.index_cast %parallel_loop3A_432 : i32 to index
        %parallel_loop3A_434 = arith.index_cast %parallel_loop3A_340 : i32 to index
        %parallel_loop3A_435 = arith.index_cast %parallel_loop3A_344 : i32 to index
        %parallel_loop3A_436 = tpu.vector_load %arg5[%parallel_loop3A_433, %parallel_loop3A_434, %parallel_loop3A_435] {strides = array<i32>} : memref<19x4x512xf32, #tpu.memory_space<vmem>>, vector<1x1x16xf32>,
        %parallel_loop3A_437 = vector.shape_cast %parallel_loop3A_436 : vector<1x1x16xf32> to vector<16xf32>
        %parallel_loop3A_438 = math.exp %parallel_loop3A_437 : vector<16xf32>
        %parallel_loop3A_439 = arith.addf %parallel_loop3A_403, %parallel_loop3A_438 : vector<16xf32>
        %parallel_loop3A_440 = arith.addf %parallel_loop3A_404, %parallel_loop3A_437 : vector<16xf32>
        %parallel_loop3A_441 = arith.constant 11 : i32
        %parallel_loop3A_442 = arith.index_cast %parallel_loop3A_441 : i32 to index
        %parallel_loop3A_443 = arith.index_cast %parallel_loop3A_340 : i32 to index
        %parallel_loop3A_444 = arith.index_cast %parallel_loop3A_344 : i32 to index
        %parallel_loop3A_445 = tpu.vector_load %arg5[%parallel_loop3A_442, %parallel_loop3A_443, %parallel_loop3A_444] {strides = array<i32>} : memref<19x4x512xf32, #tpu.memory_space<vmem>>, vector<1x1x16xf32>,
        %parallel_loop3A_446 = vector.shape_cast %parallel_loop3A_445 : vector<1x1x16xf32> to vector<16xf32>
        %parallel_loop3A_447 = math.exp %parallel_loop3A_446 : vector<16xf32>
        %parallel_loop3A_448 = arith.addf %parallel_loop3A_412, %parallel_loop3A_447 : vector<16xf32>
        %parallel_loop3A_449 = arith.addf %parallel_loop3A_413, %parallel_loop3A_446 : vector<16xf32>
        %parallel_loop3A_450 = arith.constant 12 : i32
        %parallel_loop3A_451 = arith.index_cast %parallel_loop3A_450 : i32 to index
        %parallel_loop3A_452 = arith.index_cast %parallel_loop3A_340 : i32 to index
        %parallel_loop3A_453 = arith.index_cast %parallel_loop3A_344 : i32 to index
        %parallel_loop3A_454 = tpu.vector_load %arg5[%parallel_loop3A_451, %parallel_loop3A_452, %parallel_loop3A_453] {strides = array<i32>} : memref<19x4x512xf32, #tpu.memory_space<vmem>>, vector<1x1x16xf32>,
        %parallel_loop3A_455 = vector.shape_cast %parallel_loop3A_454 : vector<1x1x16xf32> to vector<16xf32>
        %parallel_loop3A_456 = math.exp %parallel_loop3A_455 : vector<16xf32>
        %parallel_loop3A_457 = arith.addf %parallel_loop3A_421, %parallel_loop3A_456 : vector<16xf32>
        %parallel_loop3A_458 = arith.addf %parallel_loop3A_422, %parallel_loop3A_455 : vector<16xf32>
        %parallel_loop3A_459 = arith.constant 13 : i32
        %parallel_loop3A_460 = arith.index_cast %parallel_loop3A_459 : i32 to index
        %parallel_loop3A_461 = arith.index_cast %parallel_loop3A_340 : i32 to index
        %parallel_loop3A_462 = arith.index_cast %parallel_loop3A_344 : i32 to index
        %parallel_loop3A_463 = tpu.vector_load %arg5[%parallel_loop3A_460, %parallel_loop3A_461, %parallel_loop3A_462] {strides = array<i32>} : memref<19x4x512xf32, #tpu.memory_space<vmem>>, vector<1x1x16xf32>,
        %parallel_loop3A_464 = vector.shape_cast %parallel_loop3A_463 : vector<1x1x16xf32> to vector<16xf32>
        %parallel_loop3A_465 = math.exp %parallel_loop3A_464 : vector<16xf32>
        %parallel_loop3A_466 = arith.addf %parallel_loop3A_430, %parallel_loop3A_465 : vector<16xf32>
        %parallel_loop3A_467 = arith.addf %parallel_loop3A_431, %parallel_loop3A_464 : vector<16xf32>
        %parallel_loop3A_468 = arith.constant 14 : i32
        %parallel_loop3A_469 = arith.index_cast %parallel_loop3A_468 : i32 to index
        %parallel_loop3A_470 = arith.index_cast %parallel_loop3A_340 : i32 to index
        %parallel_loop3A_471 = arith.index_cast %parallel_loop3A_344 : i32 to index
        %parallel_loop3A_472 = tpu.vector_load %arg5[%parallel_loop3A_469, %parallel_loop3A_470, %parallel_loop3A_471] {strides = array<i32>} : memref<19x4x512xf32, #tpu.memory_space<vmem>>, vector<1x1x16xf32>,
        %parallel_loop3A_473 = vector.shape_cast %parallel_loop3A_472 : vector<1x1x16xf32> to vector<16xf32>
        %parallel_loop3A_474 = math.exp %parallel_loop3A_473 : vector<16xf32>
        %parallel_loop3A_475 = arith.addf %parallel_loop3A_439, %parallel_loop3A_474 : vector<16xf32>
        %parallel_loop3A_476 = arith.addf %parallel_loop3A_440, %parallel_loop3A_473 : vector<16xf32>
        %parallel_loop3A_477 = arith.constant 15 : i32
        %parallel_loop3A_478 = arith.index_cast %parallel_loop3A_477 : i32 to index
        %parallel_loop3A_479 = arith.index_cast %parallel_loop3A_340 : i32 to index
        %parallel_loop3A_480 = arith.index_cast %parallel_loop3A_344 : i32 to index
        %parallel_loop3A_481 = tpu.vector_load %arg5[%parallel_loop3A_478, %parallel_loop3A_479, %parallel_loop3A_480] {strides = array<i32>} : memref<19x4x512xf32, #tpu.memory_space<vmem>>, vector<1x1x16xf32>,
        %parallel_loop3A_482 = vector.shape_cast %parallel_loop3A_481 : vector<1x1x16xf32> to vector<16xf32>
        %parallel_loop3A_483 = math.exp %parallel_loop3A_482 : vector<16xf32>
        %parallel_loop3A_484 = arith.addf %parallel_loop3A_448, %parallel_loop3A_483 : vector<16xf32>
        %parallel_loop3A_485 = arith.addf %parallel_loop3A_449, %parallel_loop3A_482 : vector<16xf32>
        %parallel_loop3A_486 = arith.constant 16 : i32
        %parallel_loop3A_487 = arith.index_cast %parallel_loop3A_486 : i32 to index
        %parallel_loop3A_488 = arith.index_cast %parallel_loop3A_340 : i32 to index
        %parallel_loop3A_489 = arith.index_cast %parallel_loop3A_344 : i32 to index
        %parallel_loop3A_490 = tpu.vector_load %arg5[%parallel_loop3A_487, %parallel_loop3A_488, %parallel_loop3A_489] {strides = array<i32>} : memref<19x4x512xf32, #tpu.memory_space<vmem>>, vector<1x1x16xf32>,
        %parallel_loop3A_491 = vector.shape_cast %parallel_loop3A_490 : vector<1x1x16xf32> to vector<16xf32>
        %parallel_loop3A_492 = math.exp %parallel_loop3A_491 : vector<16xf32>
        %parallel_loop3A_493 = arith.addf %parallel_loop3A_457, %parallel_loop3A_492 : vector<16xf32>
        %parallel_loop3A_494 = arith.addf %parallel_loop3A_458, %parallel_loop3A_491 : vector<16xf32>
        %parallel_loop3A_495 = arith.constant 17 : i32
        %parallel_loop3A_496 = arith.index_cast %parallel_loop3A_495 : i32 to index
        %parallel_loop3A_497 = arith.index_cast %parallel_loop3A_340 : i32 to index
        %parallel_loop3A_498 = arith.index_cast %parallel_loop3A_344 : i32 to index
        %parallel_loop3A_499 = tpu.vector_load %arg5[%parallel_loop3A_496, %parallel_loop3A_497, %parallel_loop3A_498] {strides = array<i32>} : memref<19x4x512xf32, #tpu.memory_space<vmem>>, vector<1x1x16xf32>,
        %parallel_loop3A_500 = vector.shape_cast %parallel_loop3A_499 : vector<1x1x16xf32> to vector<16xf32>
        %parallel_loop3A_501 = math.exp %parallel_loop3A_500 : vector<16xf32>
        %parallel_loop3A_502 = arith.addf %parallel_loop3A_466, %parallel_loop3A_501 : vector<16xf32>
        %parallel_loop3A_503 = arith.addf %parallel_loop3A_467, %parallel_loop3A_500 : vector<16xf32>
        %parallel_loop3A_504 = arith.constant 18 : i32
        %parallel_loop3A_505 = arith.index_cast %parallel_loop3A_504 : i32 to index
        %parallel_loop3A_506 = arith.index_cast %parallel_loop3A_340 : i32 to index
        %parallel_loop3A_507 = arith.index_cast %parallel_loop3A_344 : i32 to index
        %parallel_loop3A_508 = tpu.vector_load %arg5[%parallel_loop3A_505, %parallel_loop3A_506, %parallel_loop3A_507] {strides = array<i32>} : memref<19x4x512xf32, #tpu.memory_space<vmem>>, vector<1x1x16xf32>,
        %parallel_loop3A_509 = vector.shape_cast %parallel_loop3A_508 : vector<1x1x16xf32> to vector<16xf32>
        %parallel_loop3A_510 = math.exp %parallel_loop3A_509 : vector<16xf32>
        %parallel_loop3A_511 = arith.addf %parallel_loop3A_475, %parallel_loop3A_510 : vector<16xf32>
        %parallel_loop3A_512 = arith.addf %parallel_loop3A_476, %parallel_loop3A_509 : vector<16xf32>
        %parallel_loop3A_513 = arith.addf %parallel_loop3A_493, %parallel_loop3A_502 : vector<16xf32>
        %parallel_loop3A_514 = arith.addf %parallel_loop3A_511, %parallel_loop3A_484 : vector<16xf32>
        %parallel_loop3A_515 = arith.addf %parallel_loop3A_513, %parallel_loop3A_514 : vector<16xf32>
        %parallel_loop3A_516 = arith.addf %parallel_loop3A_494, %parallel_loop3A_503 : vector<16xf32>
        %parallel_loop3A_517 = arith.addf %parallel_loop3A_512, %parallel_loop3A_485 : vector<16xf32>
        %parallel_loop3A_518 = arith.addf %parallel_loop3A_516, %parallel_loop3A_517 : vector<16xf32>
        %parallel_loop3A_519 = arith.constant 1 : i32
        %parallel_loop3A_520 = vector.broadcast %parallel_loop3A_519 : i32 to vector<16xi32>
        %parallel_loop3A_521 = arith.andi %parallel_loop3A_349, %parallel_loop3A_520 : vector<16xi32>
        %parallel_loop3A_522 = arith.constant 0 : i32
        %parallel_loop3A_523 = vector.broadcast %parallel_loop3A_522 : i32 to vector<16xi32>
        %parallel_loop3A_524 = arith.cmpi sgt, %parallel_loop3A_521, %parallel_loop3A_523 : vector<16xi32>
        %parallel_loop3A_525 = arith.constant 2 : i32
        %parallel_loop3A_526 = vector.broadcast %parallel_loop3A_525 : i32 to vector<16xi32>
        %parallel_loop3A_527 = arith.andi %parallel_loop3A_349, %parallel_loop3A_526 : vector<16xi32>
        %parallel_loop3A_528 = arith.constant 0 : i32
        %parallel_loop3A_529 = vector.broadcast %parallel_loop3A_528 : i32 to vector<16xi32>
        %parallel_loop3A_530 = arith.cmpi sgt, %parallel_loop3A_527, %parallel_loop3A_529 : vector<16xi32>
        %parallel_loop3A_531 = arith.constant 4 : i32
        %parallel_loop3A_532 = vector.broadcast %parallel_loop3A_531 : i32 to vector<16xi32>
        %parallel_loop3A_533 = arith.andi %parallel_loop3A_349, %parallel_loop3A_532 : vector<16xi32>
        %parallel_loop3A_534 = arith.constant 0 : i32
        %parallel_loop3A_535 = vector.broadcast %parallel_loop3A_534 : i32 to vector<16xi32>
        %parallel_loop3A_536 = arith.cmpi sgt, %parallel_loop3A_533, %parallel_loop3A_535 : vector<16xi32>
        %parallel_loop3A_537 = arith.constant 8 : i32
        %parallel_loop3A_538 = vector.broadcast %parallel_loop3A_537 : i32 to vector<16xi32>
        %parallel_loop3A_539 = arith.andi %parallel_loop3A_349, %parallel_loop3A_538 : vector<16xi32>
        %parallel_loop3A_540 = arith.constant 0 : i32
        %parallel_loop3A_541 = vector.broadcast %parallel_loop3A_540 : i32 to vector<16xi32>
        %parallel_loop3A_542 = arith.cmpi sgt, %parallel_loop3A_539, %parallel_loop3A_541 : vector<16xi32>
        %parallel_loop3A_543 = arith.constant 16 : i32
        %parallel_loop3A_544 = vector.broadcast %parallel_loop3A_543 : i32 to vector<16xi32>
        %parallel_loop3A_545 = arith.andi %parallel_loop3A_349, %parallel_loop3A_544 : vector<16xi32>
        %parallel_loop3A_546 = arith.constant 0 : i32
        %parallel_loop3A_547 = vector.broadcast %parallel_loop3A_546 : i32 to vector<16xi32>
        %parallel_loop3A_548 = arith.cmpi sgt, %parallel_loop3A_545, %parallel_loop3A_547 : vector<16xi32>
        %parallel_loop3A_549 = arith.select %parallel_loop3A_524, %parallel_loop3A_362, %parallel_loop3A_355 : vector<16xi1>, vector<16xf32>
        %parallel_loop3A_550 = arith.select %parallel_loop3A_524, %parallel_loop3A_376, %parallel_loop3A_369 : vector<16xi1>, vector<16xf32>
        %parallel_loop3A_551 = arith.select %parallel_loop3A_524, %parallel_loop3A_392, %parallel_loop3A_383 : vector<16xi1>, vector<16xf32>
        %parallel_loop3A_552 = arith.select %parallel_loop3A_524, %parallel_loop3A_410, %parallel_loop3A_401 : vector<16xi1>, vector<16xf32>
        %parallel_loop3A_553 = arith.select %parallel_loop3A_524, %parallel_loop3A_428, %parallel_loop3A_419 : vector<16xi1>, vector<16xf32>
        %parallel_loop3A_554 = arith.select %parallel_loop3A_524, %parallel_loop3A_446, %parallel_loop3A_437 : vector<16xi1>, vector<16xf32>
        %parallel_loop3A_555 = arith.select %parallel_loop3A_524, %parallel_loop3A_464, %parallel_loop3A_455 : vector<16xi1>, vector<16xf32>
        %parallel_loop3A_556 = arith.select %parallel_loop3A_524, %parallel_loop3A_482, %parallel_loop3A_473 : vector<16xi1>, vector<16xf32>
        %parallel_loop3A_557 = arith.select %parallel_loop3A_524, %parallel_loop3A_500, %parallel_loop3A_491 : vector<16xi1>, vector<16xf32>
        %parallel_loop3A_558 = arith.select %parallel_loop3A_530, %parallel_loop3A_550, %parallel_loop3A_549 : vector<16xi1>, vector<16xf32>
        %parallel_loop3A_559 = arith.select %parallel_loop3A_530, %parallel_loop3A_552, %parallel_loop3A_551 : vector<16xi1>, vector<16xf32>
        %parallel_loop3A_560 = arith.select %parallel_loop3A_530, %parallel_loop3A_554, %parallel_loop3A_553 : vector<16xi1>, vector<16xf32>
        %parallel_loop3A_561 = arith.select %parallel_loop3A_530, %parallel_loop3A_556, %parallel_loop3A_555 : vector<16xi1>, vector<16xf32>
        %parallel_loop3A_562 = arith.select %parallel_loop3A_530, %parallel_loop3A_509, %parallel_loop3A_557 : vector<16xi1>, vector<16xf32>
        %parallel_loop3A_563 = arith.select %parallel_loop3A_536, %parallel_loop3A_559, %parallel_loop3A_558 : vector<16xi1>, vector<16xf32>
        %parallel_loop3A_564 = arith.select %parallel_loop3A_536, %parallel_loop3A_561, %parallel_loop3A_560 : vector<16xi1>, vector<16xf32>
        %parallel_loop3A_565 = arith.select %parallel_loop3A_542, %parallel_loop3A_564, %parallel_loop3A_563 : vector<16xi1>, vector<16xf32>
        %parallel_loop3A_566 = arith.select %parallel_loop3A_548, %parallel_loop3A_562, %parallel_loop3A_565 : vector<16xi1>, vector<16xf32>
        %parallel_loop3A_567 = tpu.bitcast %parallel_loop3A_515 : vector<16xf32> -> vector<16xi32>
        %parallel_loop3A_568 = arith.constant 23 : i32
        %parallel_loop3A_569 = vector.broadcast %parallel_loop3A_568 : i32 to vector<16xi32>
        %parallel_loop3A_570 = arith.shrsi %parallel_loop3A_567, %parallel_loop3A_569 : vector<16xi32>
        %parallel_loop3A_571 = arith.addi %parallel_loop3A_337, %parallel_loop3A_570 : vector<16xi32>
        %parallel_loop3A_572 = arith.constant 8388607 : i32
        %parallel_loop3A_573 = vector.broadcast %parallel_loop3A_572 : i32 to vector<16xi32>
        %parallel_loop3A_574 = arith.andi %parallel_loop3A_567, %parallel_loop3A_573 : vector<16xi32>
        %parallel_loop3A_575 = arith.constant 1065353216 : i32
        %parallel_loop3A_576 = vector.broadcast %parallel_loop3A_575 : i32 to vector<16xi32>
        %parallel_loop3A_577 = arith.ori %parallel_loop3A_574, %parallel_loop3A_576 : vector<16xi32>
        %parallel_loop3A_578 = tpu.bitcast %parallel_loop3A_577 : vector<16xi32> -> vector<16xf32>
        %parallel_loop3A_579 = arith.mulf %parallel_loop3A_338, %parallel_loop3A_578 : vector<16xf32>
        %parallel_loop3A_580 = tpu.bitcast %parallel_loop3A_579 : vector<16xf32> -> vector<16xi32>
        %parallel_loop3A_581 = arith.constant 23 : i32
        %parallel_loop3A_582 = vector.broadcast %parallel_loop3A_581 : i32 to vector<16xi32>
        %parallel_loop3A_583 = arith.shrsi %parallel_loop3A_580, %parallel_loop3A_582 : vector<16xi32>
        %parallel_loop3A_584 = arith.addi %parallel_loop3A_571, %parallel_loop3A_583 : vector<16xi32>
        %parallel_loop3A_585 = arith.constant 8388607 : i32
        %parallel_loop3A_586 = vector.broadcast %parallel_loop3A_585 : i32 to vector<16xi32>
        %parallel_loop3A_587 = arith.andi %parallel_loop3A_580, %parallel_loop3A_586 : vector<16xi32>
        %parallel_loop3A_588 = arith.constant 1065353216 : i32
        %parallel_loop3A_589 = vector.broadcast %parallel_loop3A_588 : i32 to vector<16xi32>
        %parallel_loop3A_590 = arith.ori %parallel_loop3A_587, %parallel_loop3A_589 : vector<16xi32>
        %parallel_loop3A_591 = tpu.bitcast %parallel_loop3A_590 : vector<16xi32> -> vector<16xf32>
        %parallel_loop3A_592 = arith.addf %parallel_loop3A_335, %parallel_loop3A_566 : vector<16xf32>
        %parallel_loop3A_593 = arith.addf %parallel_loop3A_336, %parallel_loop3A_518 : vector<16xf32>
        scf.yield %parallel_loop3A_592, %parallel_loop3A_593, %parallel_loop3A_584, %parallel_loop3A_591 : vector<16xf32>, vector<16xf32>, vector<16xi32>, vector<16xf32>
      } {sc.loop_unroll_factor = 2 : i64, sc.parallel_access}
      %mul3A_247 = arith.constant 2 : i32
      %mul3A_248 = arith.muli %mul3A_247, %scan3A_178 : i32
      %add3A_249 = arith.constant 0 : i32
      %add3A_250 = arith.addi %mul3A_248, %add3A_249 : i32
      %add3A_251 = arith.constant 2 : i32
      %add3A_252 = arith.addi %add3A_250, %add3A_251 : i32
      %lt3A_253 = arith.constant 32 : i32
      %lt3A_254 = arith.cmpi slt, %add3A_252, %lt3A_253 : i32
      %convert_element_type3A_255 = arith.extui %lt3A_254 : i1 to i32
      %cond3A = arith.constant 0 : i32
      %cond3A_256 = arith.cmpi ne, %convert_element_type3A_255, %cond3A : i32
      scf.if %cond3A_256 {
        %add3A_334 = arith.constant 2 : i32
        %add3A_335 = arith.addi %add3A_187, %add3A_334 : i32
        %jit3A_336 = arith.constant 128 : i32
        %div3A_337 = arith.divsi %add3A_335, %jit3A_336 : i32
        %sign3A_338 = arith.constant 0 : i32
        %sign3A_339 = arith.cmpi sgt, %add3A_335, %sign3A_338 : i32
        %sign3A_340 = arith.extui %sign3A_339 : i1 to i32
        %sign3A_341 = arith.constant 0 : i32
        %sign3A_342 = arith.cmpi slt, %add3A_335, %sign3A_341 : i32
        %sign3A_343 = arith.extui %sign3A_342 : i1 to i32
        %sign3A_344 = arith.subi %sign3A_340, %sign3A_343 : i32
        %sign3A_345 = arith.constant 0 : i32
        %sign3A_346 = arith.cmpi sgt, %jit3A_336, %sign3A_345 : i32
        %sign3A_347 = arith.extui %sign3A_346 : i1 to i32
        %sign3A_348 = arith.constant 0 : i32
        %sign3A_349 = arith.cmpi slt, %jit3A_336, %sign3A_348 : i32
        %sign3A_350 = arith.extui %sign3A_349 : i1 to i32
        %sign3A_351 = arith.subi %sign3A_347, %sign3A_350 : i32
        %ne3A_352 = arith.cmpi ne, %sign3A_344, %sign3A_351 : i32
        %rem3A_353 = arith.remsi %add3A_335, %jit3A_336 : i32
        %ne3A_354 = arith.constant 0 : i32
        %ne3A_355 = arith.cmpi ne, %rem3A_353, %ne3A_354 : i32
        %and3A_356 = arith.andi %ne3A_352, %ne3A_355 : i1
        %sub3A_357 = arith.constant 1 : i32
        %sub3A_358 = arith.subi %div3A_337, %sub3A_357 : i32
        %select_n3A_359 = arith.select %and3A_356, %sub3A_358, %div3A_337 : i32
        %jit3A_360 = arith.constant 128 : i32
        %eq3A_361 = arith.constant 0 : i32
        %eq3A_362 = arith.cmpi eq, %jit3A_360, %eq3A_361 : i32
        %jit3A_363 = arith.constant 1 : i32
        %select_n3A_364 = arith.select %eq3A_362, %jit3A_363, %jit3A_360 : i32
        %rem3A_365 = arith.remsi %add3A_335, %select_n3A_364 : i32
        %ne3A_366 = arith.constant 0 : i32
        %ne3A_367 = arith.cmpi ne, %rem3A_365, %ne3A_366 : i32
        %lt3A_368 = arith.constant 0 : i32
        %lt3A_369 = arith.cmpi slt, %rem3A_365, %lt3A_368 : i32
        %lt3A_370 = arith.constant 0 : i32
        %lt3A_371 = arith.cmpi slt, %select_n3A_364, %lt3A_370 : i32
        %ne3A_372 = arith.xori %lt3A_369, %lt3A_371 : i1
        %and3A_373 = arith.andi %ne3A_372, %ne3A_367 : i1
        %add3A_374 = arith.addi %rem3A_365, %select_n3A_364 : i32
        %select_n3A_375 = arith.select %and3A_373, %add3A_374, %rem3A_365 : i32
        %mul3A_376 = arith.constant 4 : i32
        %mul3A_377 = arith.muli %select_n3A_375, %mul3A_376 : i32
        %dma_start3A_378 = arith.constant 0 : i32
        %dma_start3A_379 = arith.constant 0 : i32
        %dma_start3A_380 = tpu.memref_slice %arg2[%select_n3A_359, %dma_start3A_378, %mul3A_377, %dma_start3A_379] : memref<8x19x512x512xf32, #tpu.memory_space<hbm>> -> memref<1x19x4x512xf32, #tpu.memory_space<hbm>>
        %dma_start3A_381 = tpu.memref_squeeze %dma_start3A_380 : memref<1x19x4x512xf32, #tpu.memory_space<hbm>> -> memref<19x4x512xf32, #tpu.memory_space<hbm>>
        %dma_start3A_382 = arith.constant 0 : i32
        %dma_start3A_383 = arith.constant 0 : i32
        %dma_start3A_384 = tpu.memref_slice %arg2[%select_n3A_359, %dma_start3A_382, %mul3A_377, %dma_start3A_383] : memref<8x19x512x512xf32, #tpu.memory_space<hbm>> -> memref<1x19x4x512xf32, #tpu.memory_space<hbm>>
        %dma_start3A_385 = tpu.memref_squeeze %dma_start3A_384 : memref<1x19x4x512xf32, #tpu.memory_space<hbm>> -> memref<19x4x512xf32, #tpu.memory_space<hbm>>
        tpu.enqueue_dma source(%dma_start3A_385 : memref<19x4x512xf32, #tpu.memory_space<hbm>>) target(%arg5 : memref<19x4x512xf32, #tpu.memory_space<vmem>>) target_semaphore(%arg10 : memref<!tpu.dma_semaphore, #tpu.memory_space<semaphore_mem>>)
        %mul3A_386 = arith.constant 262144 : i32
        %mul3A_387 = arith.muli %select_n3A_359, %mul3A_386 : i32
        %mul3A_388 = arith.constant 512 : i32
        %mul3A_389 = arith.muli %mul3A_377, %mul3A_388 : i32
        %add3A_390 = arith.addi %mul3A_387, %mul3A_389 : i32
        %dma_start3A_391 = tpu.memref_slice %arg3[%add3A_390] : memref<2097152xi32, #tpu.memory_space<hbm>> -> memref<2048xi32, #tpu.memory_space<hbm>>
        %dma_start3A_392 = tpu.memref_slice %arg3[%add3A_390] : memref<2097152xi32, #tpu.memory_space<hbm>> -> memref<2048xi32, #tpu.memory_space<hbm>>
        tpu.enqueue_dma source(%dma_start3A_392 : memref<2048xi32, #tpu.memory_space<hbm>>) target(%arg7 : memref<2048xi32, #tpu.memory_space<vmem>>) target_semaphore(%arg10 : memref<!tpu.dma_semaphore, #tpu.memory_space<semaphore_mem>>)
      } else {
      }
      %mul3A_257 = arith.constant 2 : i32
      %mul3A_258 = arith.muli %mul3A_257, %scan3A_178 : i32
      %add3A_259 = arith.addi %mul3A_3, %mul3A_258 : i32
      %add3A_260 = arith.constant 1 : i32
      %add3A_261 = arith.addi %add3A_259, %add3A_260 : i32
      %jit3A_262 = arith.constant 128 : i32
      %div3A_263 = arith.divsi %add3A_261, %jit3A_262 : i32
      %sign3A_264 = arith.constant 0 : i32
      %sign3A_265 = arith.cmpi sgt, %add3A_261, %sign3A_264 : i32
      %sign3A_266 = arith.extui %sign3A_265 : i1 to i32
      %sign3A_267 = arith.constant 0 : i32
      %sign3A_268 = arith.cmpi slt, %add3A_261, %sign3A_267 : i32
      %sign3A_269 = arith.extui %sign3A_268 : i1 to i32
      %sign3A_270 = arith.subi %sign3A_266, %sign3A_269 : i32
      %sign3A_271 = arith.constant 0 : i32
      %sign3A_272 = arith.cmpi sgt, %jit3A_262, %sign3A_271 : i32
      %sign3A_273 = arith.extui %sign3A_272 : i1 to i32
      %sign3A_274 = arith.constant 0 : i32
      %sign3A_275 = arith.cmpi slt, %jit3A_262, %sign3A_274 : i32
      %sign3A_276 = arith.extui %sign3A_275 : i1 to i32
      %sign3A_277 = arith.subi %sign3A_273, %sign3A_276 : i32
      %ne3A_278 = arith.cmpi ne, %sign3A_270, %sign3A_277 : i32
      %rem3A_279 = arith.remsi %add3A_261, %jit3A_262 : i32
      %ne3A_280 = arith.constant 0 : i32
      %ne3A_281 = arith.cmpi ne, %rem3A_279, %ne3A_280 : i32
      %and3A_282 = arith.andi %ne3A_278, %ne3A_281 : i1
      %sub3A_283 = arith.constant 1 : i32
      %sub3A_284 = arith.subi %div3A_263, %sub3A_283 : i32
      %select_n3A_285 = arith.select %and3A_282, %sub3A_284, %div3A_263 : i32
      %jit3A_286 = arith.constant 128 : i32
      %eq3A_287 = arith.constant 0 : i32
      %eq3A_288 = arith.cmpi eq, %jit3A_286, %eq3A_287 : i32
      %jit3A_289 = arith.constant 1 : i32
      %select_n3A_290 = arith.select %eq3A_288, %jit3A_289, %jit3A_286 : i32
      %rem3A_291 = arith.remsi %add3A_261, %select_n3A_290 : i32
      %ne3A_292 = arith.constant 0 : i32
      %ne3A_293 = arith.cmpi ne, %rem3A_291, %ne3A_292 : i32
      %lt3A_294 = arith.constant 0 : i32
      %lt3A_295 = arith.cmpi slt, %rem3A_291, %lt3A_294 : i32
      %lt3A_296 = arith.constant 0 : i32
      %lt3A_297 = arith.cmpi slt, %select_n3A_290, %lt3A_296 : i32
      %ne3A_298 = arith.xori %lt3A_295, %lt3A_297 : i1
      %and3A_299 = arith.andi %ne3A_298, %ne3A_293 : i1
      %add3A_300 = arith.addi %rem3A_291, %select_n3A_290 : i32
      %select_n3A_301 = arith.select %and3A_299, %add3A_300, %rem3A_291 : i32
      %mul3A_302 = arith.constant 4 : i32
      %mul3A_303 = arith.muli %select_n3A_301, %mul3A_302 : i32
      %dma_wait3A_304 = arith.constant 0 : i32
      %dma_wait3A_305 = arith.constant 0 : i32
      %dma_wait3A_306 = tpu.memref_slice %arg2[%select_n3A_285, %dma_wait3A_304, %mul3A_303, %dma_wait3A_305] : memref<8x19x512x512xf32, #tpu.memory_space<hbm>> -> memref<1x19x4x512xf32, #tpu.memory_space<hbm>>
      %dma_wait3A_307 = tpu.memref_squeeze %dma_wait3A_306 : memref<1x19x4x512xf32, #tpu.memory_space<hbm>> -> memref<19x4x512xf32, #tpu.memory_space<hbm>>
      %dma_wait3A_308 = arith.constant 0 : i32
      %dma_wait3A_309 = arith.constant 0 : i32
      %dma_wait3A_310 = tpu.memref_slice %arg2[%select_n3A_285, %dma_wait3A_308, %mul3A_303, %dma_wait3A_309] : memref<8x19x512x512xf32, #tpu.memory_space<hbm>> -> memref<1x19x4x512xf32, #tpu.memory_space<hbm>>
      %dma_wait3A_311 = tpu.memref_squeeze %dma_wait3A_310 : memref<1x19x4x512xf32, #tpu.memory_space<hbm>> -> memref<19x4x512xf32, #tpu.memory_space<hbm>>
      tpu.wait_dma2 semaphore(%arg11 : memref<!tpu.dma_semaphore, #tpu.memory_space<semaphore_mem>>) src(%dma_wait3A_311 : memref<19x4x512xf32, #tpu.memory_space<hbm>>) dst(%arg6 : memref<19x4x512xf32, #tpu.memory_space<vmem>>)
      %mul3A_312 = arith.constant 262144 : i32
      %mul3A_313 = arith.muli %select_n3A_285, %mul3A_312 : i32
      %mul3A_314 = arith.constant 512 : i32
      %mul3A_315 = arith.muli %mul3A_303, %mul3A_314 : i32
      %add3A_316 = arith.addi %mul3A_313, %mul3A_315 : i32
      %dma_wait3A_317 = tpu.memref_slice %arg3[%add3A_316] : memref<2097152xi32, #tpu.memory_space<hbm>> -> memref<2048xi32, #tpu.memory_space<hbm>>
      %dma_wait3A_318 = tpu.memref_slice %arg3[%add3A_316] : memref<2097152xi32, #tpu.memory_space<hbm>> -> memref<2048xi32, #tpu.memory_space<hbm>>
      tpu.wait_dma2 semaphore(%arg11 : memref<!tpu.dma_semaphore, #tpu.memory_space<semaphore_mem>>) src(%dma_wait3A_318 : memref<2048xi32, #tpu.memory_space<hbm>>) dst(%arg8 : memref<2048xi32, #tpu.memory_space<vmem>>)
      %parallel_loop3A_319 = arith.constant 0 : i32
      %parallel_loop3A_320 = arith.constant 128 : i32
      %parallel_loop3A_321 = arith.constant 1 : i32
      %parallel_loop3A_322:4 = scf.for %parallel_loop3A_334 = %parallel_loop3A_319 to %parallel_loop3A_320 step %parallel_loop3A_321 iter_args(%parallel_loop3A_335 = %parallel_loop3A_246#0, %parallel_loop3A_336 = %parallel_loop3A_246#1, %parallel_loop3A_337 = %parallel_loop3A_246#2, %parallel_loop3A_338 = %parallel_loop3A_246#3) -> (vector<16xf32>, vector<16xf32>, vector<16xi32>, vector<16xf32>)  : i32 {
        %parallel_loop3A_339 = arith.constant 5 : i32
        %parallel_loop3A_340 = arith.shrsi %parallel_loop3A_334, %parallel_loop3A_339 : i32
        %parallel_loop3A_341 = arith.constant 31 : i32
        %parallel_loop3A_342 = arith.andi %parallel_loop3A_334, %parallel_loop3A_341 : i32
        %parallel_loop3A_343 = arith.constant 16 : i32
        %parallel_loop3A_344 = arith.muli %parallel_loop3A_342, %parallel_loop3A_343 : i32
        %parallel_loop3A_345 = arith.constant 16 : i32
        %parallel_loop3A_346 = arith.muli %parallel_loop3A_334, %parallel_loop3A_345 : i32
        %parallel_loop3A_347 = arith.index_cast %parallel_loop3A_346 : i32 to index
        %parallel_loop3A_348 = tpu.vector_load %arg8[%parallel_loop3A_347] {strides = array<i32>} : memref<2048xi32, #tpu.memory_space<vmem>>, vector<16xi32>,
        %parallel_loop3A_349 = vector.shape_cast %parallel_loop3A_348 : vector<16xi32> to vector<16xi32>
        %parallel_loop3A_350 = arith.constant 0 : i32
        %parallel_loop3A_351 = arith.index_cast %parallel_loop3A_350 : i32 to index
        %parallel_loop3A_352 = arith.index_cast %parallel_loop3A_340 : i32 to index
        %parallel_loop3A_353 = arith.index_cast %parallel_loop3A_344 : i32 to index
        %parallel_loop3A_354 = tpu.vector_load %arg6[%parallel_loop3A_351, %parallel_loop3A_352, %parallel_loop3A_353] {strides = array<i32>} : memref<19x4x512xf32, #tpu.memory_space<vmem>>, vector<1x1x16xf32>,
        %parallel_loop3A_355 = vector.shape_cast %parallel_loop3A_354 : vector<1x1x16xf32> to vector<16xf32>
        %parallel_loop3A_356 = math.exp %parallel_loop3A_355 : vector<16xf32>
        %parallel_loop3A_357 = arith.constant 1 : i32
        %parallel_loop3A_358 = arith.index_cast %parallel_loop3A_357 : i32 to index
        %parallel_loop3A_359 = arith.index_cast %parallel_loop3A_340 : i32 to index
        %parallel_loop3A_360 = arith.index_cast %parallel_loop3A_344 : i32 to index
        %parallel_loop3A_361 = tpu.vector_load %arg6[%parallel_loop3A_358, %parallel_loop3A_359, %parallel_loop3A_360] {strides = array<i32>} : memref<19x4x512xf32, #tpu.memory_space<vmem>>, vector<1x1x16xf32>,
        %parallel_loop3A_362 = vector.shape_cast %parallel_loop3A_361 : vector<1x1x16xf32> to vector<16xf32>
        %parallel_loop3A_363 = math.exp %parallel_loop3A_362 : vector<16xf32>
        %parallel_loop3A_364 = arith.constant 2 : i32
        %parallel_loop3A_365 = arith.index_cast %parallel_loop3A_364 : i32 to index
        %parallel_loop3A_366 = arith.index_cast %parallel_loop3A_340 : i32 to index
        %parallel_loop3A_367 = arith.index_cast %parallel_loop3A_344 : i32 to index
        %parallel_loop3A_368 = tpu.vector_load %arg6[%parallel_loop3A_365, %parallel_loop3A_366, %parallel_loop3A_367] {strides = array<i32>} : memref<19x4x512xf32, #tpu.memory_space<vmem>>, vector<1x1x16xf32>,
        %parallel_loop3A_369 = vector.shape_cast %parallel_loop3A_368 : vector<1x1x16xf32> to vector<16xf32>
        %parallel_loop3A_370 = math.exp %parallel_loop3A_369 : vector<16xf32>
        %parallel_loop3A_371 = arith.constant 3 : i32
        %parallel_loop3A_372 = arith.index_cast %parallel_loop3A_371 : i32 to index
        %parallel_loop3A_373 = arith.index_cast %parallel_loop3A_340 : i32 to index
        %parallel_loop3A_374 = arith.index_cast %parallel_loop3A_344 : i32 to index
        %parallel_loop3A_375 = tpu.vector_load %arg6[%parallel_loop3A_372, %parallel_loop3A_373, %parallel_loop3A_374] {strides = array<i32>} : memref<19x4x512xf32, #tpu.memory_space<vmem>>, vector<1x1x16xf32>,
        %parallel_loop3A_376 = vector.shape_cast %parallel_loop3A_375 : vector<1x1x16xf32> to vector<16xf32>
        %parallel_loop3A_377 = math.exp %parallel_loop3A_376 : vector<16xf32>
        %parallel_loop3A_378 = arith.constant 4 : i32
        %parallel_loop3A_379 = arith.index_cast %parallel_loop3A_378 : i32 to index
        %parallel_loop3A_380 = arith.index_cast %parallel_loop3A_340 : i32 to index
        %parallel_loop3A_381 = arith.index_cast %parallel_loop3A_344 : i32 to index
        %parallel_loop3A_382 = tpu.vector_load %arg6[%parallel_loop3A_379, %parallel_loop3A_380, %parallel_loop3A_381] {strides = array<i32>} : memref<19x4x512xf32, #tpu.memory_space<vmem>>, vector<1x1x16xf32>,
        %parallel_loop3A_383 = vector.shape_cast %parallel_loop3A_382 : vector<1x1x16xf32> to vector<16xf32>
        %parallel_loop3A_384 = math.exp %parallel_loop3A_383 : vector<16xf32>
        %parallel_loop3A_385 = arith.addf %parallel_loop3A_356, %parallel_loop3A_384 : vector<16xf32>
        %parallel_loop3A_386 = arith.addf %parallel_loop3A_355, %parallel_loop3A_383 : vector<16xf32>
        %parallel_loop3A_387 = arith.constant 5 : i32
        %parallel_loop3A_388 = arith.index_cast %parallel_loop3A_387 : i32 to index
        %parallel_loop3A_389 = arith.index_cast %parallel_loop3A_340 : i32 to index
        %parallel_loop3A_390 = arith.index_cast %parallel_loop3A_344 : i32 to index
        %parallel_loop3A_391 = tpu.vector_load %arg6[%parallel_loop3A_388, %parallel_loop3A_389, %parallel_loop3A_390] {strides = array<i32>} : memref<19x4x512xf32, #tpu.memory_space<vmem>>, vector<1x1x16xf32>,
        %parallel_loop3A_392 = vector.shape_cast %parallel_loop3A_391 : vector<1x1x16xf32> to vector<16xf32>
        %parallel_loop3A_393 = math.exp %parallel_loop3A_392 : vector<16xf32>
        %parallel_loop3A_394 = arith.addf %parallel_loop3A_363, %parallel_loop3A_393 : vector<16xf32>
        %parallel_loop3A_395 = arith.addf %parallel_loop3A_362, %parallel_loop3A_392 : vector<16xf32>
        %parallel_loop3A_396 = arith.constant 6 : i32
        %parallel_loop3A_397 = arith.index_cast %parallel_loop3A_396 : i32 to index
        %parallel_loop3A_398 = arith.index_cast %parallel_loop3A_340 : i32 to index
        %parallel_loop3A_399 = arith.index_cast %parallel_loop3A_344 : i32 to index
        %parallel_loop3A_400 = tpu.vector_load %arg6[%parallel_loop3A_397, %parallel_loop3A_398, %parallel_loop3A_399] {strides = array<i32>} : memref<19x4x512xf32, #tpu.memory_space<vmem>>, vector<1x1x16xf32>,
        %parallel_loop3A_401 = vector.shape_cast %parallel_loop3A_400 : vector<1x1x16xf32> to vector<16xf32>
        %parallel_loop3A_402 = math.exp %parallel_loop3A_401 : vector<16xf32>
        %parallel_loop3A_403 = arith.addf %parallel_loop3A_370, %parallel_loop3A_402 : vector<16xf32>
        %parallel_loop3A_404 = arith.addf %parallel_loop3A_369, %parallel_loop3A_401 : vector<16xf32>
        %parallel_loop3A_405 = arith.constant 7 : i32
        %parallel_loop3A_406 = arith.index_cast %parallel_loop3A_405 : i32 to index
        %parallel_loop3A_407 = arith.index_cast %parallel_loop3A_340 : i32 to index
        %parallel_loop3A_408 = arith.index_cast %parallel_loop3A_344 : i32 to index
        %parallel_loop3A_409 = tpu.vector_load %arg6[%parallel_loop3A_406, %parallel_loop3A_407, %parallel_loop3A_408] {strides = array<i32>} : memref<19x4x512xf32, #tpu.memory_space<vmem>>, vector<1x1x16xf32>,
        %parallel_loop3A_410 = vector.shape_cast %parallel_loop3A_409 : vector<1x1x16xf32> to vector<16xf32>
        %parallel_loop3A_411 = math.exp %parallel_loop3A_410 : vector<16xf32>
        %parallel_loop3A_412 = arith.addf %parallel_loop3A_377, %parallel_loop3A_411 : vector<16xf32>
        %parallel_loop3A_413 = arith.addf %parallel_loop3A_376, %parallel_loop3A_410 : vector<16xf32>
        %parallel_loop3A_414 = arith.constant 8 : i32
        %parallel_loop3A_415 = arith.index_cast %parallel_loop3A_414 : i32 to index
        %parallel_loop3A_416 = arith.index_cast %parallel_loop3A_340 : i32 to index
        %parallel_loop3A_417 = arith.index_cast %parallel_loop3A_344 : i32 to index
        %parallel_loop3A_418 = tpu.vector_load %arg6[%parallel_loop3A_415, %parallel_loop3A_416, %parallel_loop3A_417] {strides = array<i32>} : memref<19x4x512xf32, #tpu.memory_space<vmem>>, vector<1x1x16xf32>,
        %parallel_loop3A_419 = vector.shape_cast %parallel_loop3A_418 : vector<1x1x16xf32> to vector<16xf32>
        %parallel_loop3A_420 = math.exp %parallel_loop3A_419 : vector<16xf32>
        %parallel_loop3A_421 = arith.addf %parallel_loop3A_385, %parallel_loop3A_420 : vector<16xf32>
        %parallel_loop3A_422 = arith.addf %parallel_loop3A_386, %parallel_loop3A_419 : vector<16xf32>
        %parallel_loop3A_423 = arith.constant 9 : i32
        %parallel_loop3A_424 = arith.index_cast %parallel_loop3A_423 : i32 to index
        %parallel_loop3A_425 = arith.index_cast %parallel_loop3A_340 : i32 to index
        %parallel_loop3A_426 = arith.index_cast %parallel_loop3A_344 : i32 to index
        %parallel_loop3A_427 = tpu.vector_load %arg6[%parallel_loop3A_424, %parallel_loop3A_425, %parallel_loop3A_426] {strides = array<i32>} : memref<19x4x512xf32, #tpu.memory_space<vmem>>, vector<1x1x16xf32>,
        %parallel_loop3A_428 = vector.shape_cast %parallel_loop3A_427 : vector<1x1x16xf32> to vector<16xf32>
        %parallel_loop3A_429 = math.exp %parallel_loop3A_428 : vector<16xf32>
        %parallel_loop3A_430 = arith.addf %parallel_loop3A_394, %parallel_loop3A_429 : vector<16xf32>
        %parallel_loop3A_431 = arith.addf %parallel_loop3A_395, %parallel_loop3A_428 : vector<16xf32>
        %parallel_loop3A_432 = arith.constant 10 : i32
        %parallel_loop3A_433 = arith.index_cast %parallel_loop3A_432 : i32 to index
        %parallel_loop3A_434 = arith.index_cast %parallel_loop3A_340 : i32 to index
        %parallel_loop3A_435 = arith.index_cast %parallel_loop3A_344 : i32 to index
        %parallel_loop3A_436 = tpu.vector_load %arg6[%parallel_loop3A_433, %parallel_loop3A_434, %parallel_loop3A_435] {strides = array<i32>} : memref<19x4x512xf32, #tpu.memory_space<vmem>>, vector<1x1x16xf32>,
        %parallel_loop3A_437 = vector.shape_cast %parallel_loop3A_436 : vector<1x1x16xf32> to vector<16xf32>
        %parallel_loop3A_438 = math.exp %parallel_loop3A_437 : vector<16xf32>
        %parallel_loop3A_439 = arith.addf %parallel_loop3A_403, %parallel_loop3A_438 : vector<16xf32>
        %parallel_loop3A_440 = arith.addf %parallel_loop3A_404, %parallel_loop3A_437 : vector<16xf32>
        %parallel_loop3A_441 = arith.constant 11 : i32
        %parallel_loop3A_442 = arith.index_cast %parallel_loop3A_441 : i32 to index
        %parallel_loop3A_443 = arith.index_cast %parallel_loop3A_340 : i32 to index
        %parallel_loop3A_444 = arith.index_cast %parallel_loop3A_344 : i32 to index
        %parallel_loop3A_445 = tpu.vector_load %arg6[%parallel_loop3A_442, %parallel_loop3A_443, %parallel_loop3A_444] {strides = array<i32>} : memref<19x4x512xf32, #tpu.memory_space<vmem>>, vector<1x1x16xf32>,
        %parallel_loop3A_446 = vector.shape_cast %parallel_loop3A_445 : vector<1x1x16xf32> to vector<16xf32>
        %parallel_loop3A_447 = math.exp %parallel_loop3A_446 : vector<16xf32>
        %parallel_loop3A_448 = arith.addf %parallel_loop3A_412, %parallel_loop3A_447 : vector<16xf32>
        %parallel_loop3A_449 = arith.addf %parallel_loop3A_413, %parallel_loop3A_446 : vector<16xf32>
        %parallel_loop3A_450 = arith.constant 12 : i32
        %parallel_loop3A_451 = arith.index_cast %parallel_loop3A_450 : i32 to index
        %parallel_loop3A_452 = arith.index_cast %parallel_loop3A_340 : i32 to index
        %parallel_loop3A_453 = arith.index_cast %parallel_loop3A_344 : i32 to index
        %parallel_loop3A_454 = tpu.vector_load %arg6[%parallel_loop3A_451, %parallel_loop3A_452, %parallel_loop3A_453] {strides = array<i32>} : memref<19x4x512xf32, #tpu.memory_space<vmem>>, vector<1x1x16xf32>,
        %parallel_loop3A_455 = vector.shape_cast %parallel_loop3A_454 : vector<1x1x16xf32> to vector<16xf32>
        %parallel_loop3A_456 = math.exp %parallel_loop3A_455 : vector<16xf32>
        %parallel_loop3A_457 = arith.addf %parallel_loop3A_421, %parallel_loop3A_456 : vector<16xf32>
        %parallel_loop3A_458 = arith.addf %parallel_loop3A_422, %parallel_loop3A_455 : vector<16xf32>
        %parallel_loop3A_459 = arith.constant 13 : i32
        %parallel_loop3A_460 = arith.index_cast %parallel_loop3A_459 : i32 to index
        %parallel_loop3A_461 = arith.index_cast %parallel_loop3A_340 : i32 to index
        %parallel_loop3A_462 = arith.index_cast %parallel_loop3A_344 : i32 to index
        %parallel_loop3A_463 = tpu.vector_load %arg6[%parallel_loop3A_460, %parallel_loop3A_461, %parallel_loop3A_462] {strides = array<i32>} : memref<19x4x512xf32, #tpu.memory_space<vmem>>, vector<1x1x16xf32>,
        %parallel_loop3A_464 = vector.shape_cast %parallel_loop3A_463 : vector<1x1x16xf32> to vector<16xf32>
        %parallel_loop3A_465 = math.exp %parallel_loop3A_464 : vector<16xf32>
        %parallel_loop3A_466 = arith.addf %parallel_loop3A_430, %parallel_loop3A_465 : vector<16xf32>
        %parallel_loop3A_467 = arith.addf %parallel_loop3A_431, %parallel_loop3A_464 : vector<16xf32>
        %parallel_loop3A_468 = arith.constant 14 : i32
        %parallel_loop3A_469 = arith.index_cast %parallel_loop3A_468 : i32 to index
        %parallel_loop3A_470 = arith.index_cast %parallel_loop3A_340 : i32 to index
        %parallel_loop3A_471 = arith.index_cast %parallel_loop3A_344 : i32 to index
        %parallel_loop3A_472 = tpu.vector_load %arg6[%parallel_loop3A_469, %parallel_loop3A_470, %parallel_loop3A_471] {strides = array<i32>} : memref<19x4x512xf32, #tpu.memory_space<vmem>>, vector<1x1x16xf32>,
        %parallel_loop3A_473 = vector.shape_cast %parallel_loop3A_472 : vector<1x1x16xf32> to vector<16xf32>
        %parallel_loop3A_474 = math.exp %parallel_loop3A_473 : vector<16xf32>
        %parallel_loop3A_475 = arith.addf %parallel_loop3A_439, %parallel_loop3A_474 : vector<16xf32>
        %parallel_loop3A_476 = arith.addf %parallel_loop3A_440, %parallel_loop3A_473 : vector<16xf32>
        %parallel_loop3A_477 = arith.constant 15 : i32
        %parallel_loop3A_478 = arith.index_cast %parallel_loop3A_477 : i32 to index
        %parallel_loop3A_479 = arith.index_cast %parallel_loop3A_340 : i32 to index
        %parallel_loop3A_480 = arith.index_cast %parallel_loop3A_344 : i32 to index
        %parallel_loop3A_481 = tpu.vector_load %arg6[%parallel_loop3A_478, %parallel_loop3A_479, %parallel_loop3A_480] {strides = array<i32>} : memref<19x4x512xf32, #tpu.memory_space<vmem>>, vector<1x1x16xf32>,
        %parallel_loop3A_482 = vector.shape_cast %parallel_loop3A_481 : vector<1x1x16xf32> to vector<16xf32>
        %parallel_loop3A_483 = math.exp %parallel_loop3A_482 : vector<16xf32>
        %parallel_loop3A_484 = arith.addf %parallel_loop3A_448, %parallel_loop3A_483 : vector<16xf32>
        %parallel_loop3A_485 = arith.addf %parallel_loop3A_449, %parallel_loop3A_482 : vector<16xf32>
        %parallel_loop3A_486 = arith.constant 16 : i32
        %parallel_loop3A_487 = arith.index_cast %parallel_loop3A_486 : i32 to index
        %parallel_loop3A_488 = arith.index_cast %parallel_loop3A_340 : i32 to index
        %parallel_loop3A_489 = arith.index_cast %parallel_loop3A_344 : i32 to index
        %parallel_loop3A_490 = tpu.vector_load %arg6[%parallel_loop3A_487, %parallel_loop3A_488, %parallel_loop3A_489] {strides = array<i32>} : memref<19x4x512xf32, #tpu.memory_space<vmem>>, vector<1x1x16xf32>,
        %parallel_loop3A_491 = vector.shape_cast %parallel_loop3A_490 : vector<1x1x16xf32> to vector<16xf32>
        %parallel_loop3A_492 = math.exp %parallel_loop3A_491 : vector<16xf32>
        %parallel_loop3A_493 = arith.addf %parallel_loop3A_457, %parallel_loop3A_492 : vector<16xf32>
        %parallel_loop3A_494 = arith.addf %parallel_loop3A_458, %parallel_loop3A_491 : vector<16xf32>
        %parallel_loop3A_495 = arith.constant 17 : i32
        %parallel_loop3A_496 = arith.index_cast %parallel_loop3A_495 : i32 to index
        %parallel_loop3A_497 = arith.index_cast %parallel_loop3A_340 : i32 to index
        %parallel_loop3A_498 = arith.index_cast %parallel_loop3A_344 : i32 to index
        %parallel_loop3A_499 = tpu.vector_load %arg6[%parallel_loop3A_496, %parallel_loop3A_497, %parallel_loop3A_498] {strides = array<i32>} : memref<19x4x512xf32, #tpu.memory_space<vmem>>, vector<1x1x16xf32>,
        %parallel_loop3A_500 = vector.shape_cast %parallel_loop3A_499 : vector<1x1x16xf32> to vector<16xf32>
        %parallel_loop3A_501 = math.exp %parallel_loop3A_500 : vector<16xf32>
        %parallel_loop3A_502 = arith.addf %parallel_loop3A_466, %parallel_loop3A_501 : vector<16xf32>
        %parallel_loop3A_503 = arith.addf %parallel_loop3A_467, %parallel_loop3A_500 : vector<16xf32>
        %parallel_loop3A_504 = arith.constant 18 : i32
        %parallel_loop3A_505 = arith.index_cast %parallel_loop3A_504 : i32 to index
        %parallel_loop3A_506 = arith.index_cast %parallel_loop3A_340 : i32 to index
        %parallel_loop3A_507 = arith.index_cast %parallel_loop3A_344 : i32 to index
        %parallel_loop3A_508 = tpu.vector_load %arg6[%parallel_loop3A_505, %parallel_loop3A_506, %parallel_loop3A_507] {strides = array<i32>} : memref<19x4x512xf32, #tpu.memory_space<vmem>>, vector<1x1x16xf32>,
        %parallel_loop3A_509 = vector.shape_cast %parallel_loop3A_508 : vector<1x1x16xf32> to vector<16xf32>
        %parallel_loop3A_510 = math.exp %parallel_loop3A_509 : vector<16xf32>
        %parallel_loop3A_511 = arith.addf %parallel_loop3A_475, %parallel_loop3A_510 : vector<16xf32>
        %parallel_loop3A_512 = arith.addf %parallel_loop3A_476, %parallel_loop3A_509 : vector<16xf32>
        %parallel_loop3A_513 = arith.addf %parallel_loop3A_493, %parallel_loop3A_502 : vector<16xf32>
        %parallel_loop3A_514 = arith.addf %parallel_loop3A_511, %parallel_loop3A_484 : vector<16xf32>
        %parallel_loop3A_515 = arith.addf %parallel_loop3A_513, %parallel_loop3A_514 : vector<16xf32>
        %parallel_loop3A_516 = arith.addf %parallel_loop3A_494, %parallel_loop3A_503 : vector<16xf32>
        %parallel_loop3A_517 = arith.addf %parallel_loop3A_512, %parallel_loop3A_485 : vector<16xf32>
        %parallel_loop3A_518 = arith.addf %parallel_loop3A_516, %parallel_loop3A_517 : vector<16xf32>
        %parallel_loop3A_519 = arith.constant 1 : i32
        %parallel_loop3A_520 = vector.broadcast %parallel_loop3A_519 : i32 to vector<16xi32>
        %parallel_loop3A_521 = arith.andi %parallel_loop3A_349, %parallel_loop3A_520 : vector<16xi32>
        %parallel_loop3A_522 = arith.constant 0 : i32
        %parallel_loop3A_523 = vector.broadcast %parallel_loop3A_522 : i32 to vector<16xi32>
        %parallel_loop3A_524 = arith.cmpi sgt, %parallel_loop3A_521, %parallel_loop3A_523 : vector<16xi32>
        %parallel_loop3A_525 = arith.constant 2 : i32
        %parallel_loop3A_526 = vector.broadcast %parallel_loop3A_525 : i32 to vector<16xi32>
        %parallel_loop3A_527 = arith.andi %parallel_loop3A_349, %parallel_loop3A_526 : vector<16xi32>
        %parallel_loop3A_528 = arith.constant 0 : i32
        %parallel_loop3A_529 = vector.broadcast %parallel_loop3A_528 : i32 to vector<16xi32>
        %parallel_loop3A_530 = arith.cmpi sgt, %parallel_loop3A_527, %parallel_loop3A_529 : vector<16xi32>
        %parallel_loop3A_531 = arith.constant 4 : i32
        %parallel_loop3A_532 = vector.broadcast %parallel_loop3A_531 : i32 to vector<16xi32>
        %parallel_loop3A_533 = arith.andi %parallel_loop3A_349, %parallel_loop3A_532 : vector<16xi32>
        %parallel_loop3A_534 = arith.constant 0 : i32
        %parallel_loop3A_535 = vector.broadcast %parallel_loop3A_534 : i32 to vector<16xi32>
        %parallel_loop3A_536 = arith.cmpi sgt, %parallel_loop3A_533, %parallel_loop3A_535 : vector<16xi32>
        %parallel_loop3A_537 = arith.constant 8 : i32
        %parallel_loop3A_538 = vector.broadcast %parallel_loop3A_537 : i32 to vector<16xi32>
        %parallel_loop3A_539 = arith.andi %parallel_loop3A_349, %parallel_loop3A_538 : vector<16xi32>
        %parallel_loop3A_540 = arith.constant 0 : i32
        %parallel_loop3A_541 = vector.broadcast %parallel_loop3A_540 : i32 to vector<16xi32>
        %parallel_loop3A_542 = arith.cmpi sgt, %parallel_loop3A_539, %parallel_loop3A_541 : vector<16xi32>
        %parallel_loop3A_543 = arith.constant 16 : i32
        %parallel_loop3A_544 = vector.broadcast %parallel_loop3A_543 : i32 to vector<16xi32>
        %parallel_loop3A_545 = arith.andi %parallel_loop3A_349, %parallel_loop3A_544 : vector<16xi32>
        %parallel_loop3A_546 = arith.constant 0 : i32
        %parallel_loop3A_547 = vector.broadcast %parallel_loop3A_546 : i32 to vector<16xi32>
        %parallel_loop3A_548 = arith.cmpi sgt, %parallel_loop3A_545, %parallel_loop3A_547 : vector<16xi32>
        %parallel_loop3A_549 = arith.select %parallel_loop3A_524, %parallel_loop3A_362, %parallel_loop3A_355 : vector<16xi1>, vector<16xf32>
        %parallel_loop3A_550 = arith.select %parallel_loop3A_524, %parallel_loop3A_376, %parallel_loop3A_369 : vector<16xi1>, vector<16xf32>
        %parallel_loop3A_551 = arith.select %parallel_loop3A_524, %parallel_loop3A_392, %parallel_loop3A_383 : vector<16xi1>, vector<16xf32>
        %parallel_loop3A_552 = arith.select %parallel_loop3A_524, %parallel_loop3A_410, %parallel_loop3A_401 : vector<16xi1>, vector<16xf32>
        %parallel_loop3A_553 = arith.select %parallel_loop3A_524, %parallel_loop3A_428, %parallel_loop3A_419 : vector<16xi1>, vector<16xf32>
        %parallel_loop3A_554 = arith.select %parallel_loop3A_524, %parallel_loop3A_446, %parallel_loop3A_437 : vector<16xi1>, vector<16xf32>
        %parallel_loop3A_555 = arith.select %parallel_loop3A_524, %parallel_loop3A_464, %parallel_loop3A_455 : vector<16xi1>, vector<16xf32>
        %parallel_loop3A_556 = arith.select %parallel_loop3A_524, %parallel_loop3A_482, %parallel_loop3A_473 : vector<16xi1>, vector<16xf32>
        %parallel_loop3A_557 = arith.select %parallel_loop3A_524, %parallel_loop3A_500, %parallel_loop3A_491 : vector<16xi1>, vector<16xf32>
        %parallel_loop3A_558 = arith.select %parallel_loop3A_530, %parallel_loop3A_550, %parallel_loop3A_549 : vector<16xi1>, vector<16xf32>
        %parallel_loop3A_559 = arith.select %parallel_loop3A_530, %parallel_loop3A_552, %parallel_loop3A_551 : vector<16xi1>, vector<16xf32>
        %parallel_loop3A_560 = arith.select %parallel_loop3A_530, %parallel_loop3A_554, %parallel_loop3A_553 : vector<16xi1>, vector<16xf32>
        %parallel_loop3A_561 = arith.select %parallel_loop3A_530, %parallel_loop3A_556, %parallel_loop3A_555 : vector<16xi1>, vector<16xf32>
        %parallel_loop3A_562 = arith.select %parallel_loop3A_530, %parallel_loop3A_509, %parallel_loop3A_557 : vector<16xi1>, vector<16xf32>
        %parallel_loop3A_563 = arith.select %parallel_loop3A_536, %parallel_loop3A_559, %parallel_loop3A_558 : vector<16xi1>, vector<16xf32>
        %parallel_loop3A_564 = arith.select %parallel_loop3A_536, %parallel_loop3A_561, %parallel_loop3A_560 : vector<16xi1>, vector<16xf32>
        %parallel_loop3A_565 = arith.select %parallel_loop3A_542, %parallel_loop3A_564, %parallel_loop3A_563 : vector<16xi1>, vector<16xf32>
        %parallel_loop3A_566 = arith.select %parallel_loop3A_548, %parallel_loop3A_562, %parallel_loop3A_565 : vector<16xi1>, vector<16xf32>
        %parallel_loop3A_567 = tpu.bitcast %parallel_loop3A_515 : vector<16xf32> -> vector<16xi32>
        %parallel_loop3A_568 = arith.constant 23 : i32
        %parallel_loop3A_569 = vector.broadcast %parallel_loop3A_568 : i32 to vector<16xi32>
        %parallel_loop3A_570 = arith.shrsi %parallel_loop3A_567, %parallel_loop3A_569 : vector<16xi32>
        %parallel_loop3A_571 = arith.addi %parallel_loop3A_337, %parallel_loop3A_570 : vector<16xi32>
        %parallel_loop3A_572 = arith.constant 8388607 : i32
        %parallel_loop3A_573 = vector.broadcast %parallel_loop3A_572 : i32 to vector<16xi32>
        %parallel_loop3A_574 = arith.andi %parallel_loop3A_567, %parallel_loop3A_573 : vector<16xi32>
        %parallel_loop3A_575 = arith.constant 1065353216 : i32
        %parallel_loop3A_576 = vector.broadcast %parallel_loop3A_575 : i32 to vector<16xi32>
        %parallel_loop3A_577 = arith.ori %parallel_loop3A_574, %parallel_loop3A_576 : vector<16xi32>
        %parallel_loop3A_578 = tpu.bitcast %parallel_loop3A_577 : vector<16xi32> -> vector<16xf32>
        %parallel_loop3A_579 = arith.mulf %parallel_loop3A_338, %parallel_loop3A_578 : vector<16xf32>
        %parallel_loop3A_580 = tpu.bitcast %parallel_loop3A_579 : vector<16xf32> -> vector<16xi32>
        %parallel_loop3A_581 = arith.constant 23 : i32
        %parallel_loop3A_582 = vector.broadcast %parallel_loop3A_581 : i32 to vector<16xi32>
        %parallel_loop3A_583 = arith.shrsi %parallel_loop3A_580, %parallel_loop3A_582 : vector<16xi32>
        %parallel_loop3A_584 = arith.addi %parallel_loop3A_571, %parallel_loop3A_583 : vector<16xi32>
        %parallel_loop3A_585 = arith.constant 8388607 : i32
        %parallel_loop3A_586 = vector.broadcast %parallel_loop3A_585 : i32 to vector<16xi32>
        %parallel_loop3A_587 = arith.andi %parallel_loop3A_580, %parallel_loop3A_586 : vector<16xi32>
        %parallel_loop3A_588 = arith.constant 1065353216 : i32
        %parallel_loop3A_589 = vector.broadcast %parallel_loop3A_588 : i32 to vector<16xi32>
        %parallel_loop3A_590 = arith.ori %parallel_loop3A_587, %parallel_loop3A_589 : vector<16xi32>
        %parallel_loop3A_591 = tpu.bitcast %parallel_loop3A_590 : vector<16xi32> -> vector<16xf32>
        %parallel_loop3A_592 = arith.addf %parallel_loop3A_335, %parallel_loop3A_566 : vector<16xf32>
        %parallel_loop3A_593 = arith.addf %parallel_loop3A_336, %parallel_loop3A_518 : vector<16xf32>
        scf.yield %parallel_loop3A_592, %parallel_loop3A_593, %parallel_loop3A_584, %parallel_loop3A_591 : vector<16xf32>, vector<16xf32>, vector<16xi32>, vector<16xf32>
      } {sc.loop_unroll_factor = 2 : i64, sc.parallel_access}
      %mul3A_323 = arith.constant 2 : i32
      %mul3A_324 = arith.muli %mul3A_323, %scan3A_178 : i32
      %add3A_325 = arith.constant 1 : i32
      %add3A_326 = arith.addi %mul3A_324, %add3A_325 : i32
      %add3A_327 = arith.constant 2 : i32
      %add3A_328 = arith.addi %add3A_326, %add3A_327 : i32
      %lt3A_329 = arith.constant 32 : i32
      %lt3A_330 = arith.cmpi slt, %add3A_328, %lt3A_329 : i32
      %convert_element_type3A_331 = arith.extui %lt3A_330 : i1 to i32
      %cond3A_332 = arith.constant 0 : i32
      %cond3A_333 = arith.cmpi ne, %convert_element_type3A_331, %cond3A_332 : i32
      scf.if %cond3A_333 {
        %add3A_334 = arith.constant 2 : i32
        %add3A_335 = arith.addi %add3A_261, %add3A_334 : i32
        %jit3A_336 = arith.constant 128 : i32
        %div3A_337 = arith.divsi %add3A_335, %jit3A_336 : i32
        %sign3A_338 = arith.constant 0 : i32
        %sign3A_339 = arith.cmpi sgt, %add3A_335, %sign3A_338 : i32
        %sign3A_340 = arith.extui %sign3A_339 : i1 to i32
        %sign3A_341 = arith.constant 0 : i32
        %sign3A_342 = arith.cmpi slt, %add3A_335, %sign3A_341 : i32
        %sign3A_343 = arith.extui %sign3A_342 : i1 to i32
        %sign3A_344 = arith.subi %sign3A_340, %sign3A_343 : i32
        %sign3A_345 = arith.constant 0 : i32
        %sign3A_346 = arith.cmpi sgt, %jit3A_336, %sign3A_345 : i32
        %sign3A_347 = arith.extui %sign3A_346 : i1 to i32
        %sign3A_348 = arith.constant 0 : i32
        %sign3A_349 = arith.cmpi slt, %jit3A_336, %sign3A_348 : i32
        %sign3A_350 = arith.extui %sign3A_349 : i1 to i32
        %sign3A_351 = arith.subi %sign3A_347, %sign3A_350 : i32
        %ne3A_352 = arith.cmpi ne, %sign3A_344, %sign3A_351 : i32
        %rem3A_353 = arith.remsi %add3A_335, %jit3A_336 : i32
        %ne3A_354 = arith.constant 0 : i32
        %ne3A_355 = arith.cmpi ne, %rem3A_353, %ne3A_354 : i32
        %and3A_356 = arith.andi %ne3A_352, %ne3A_355 : i1
        %sub3A_357 = arith.constant 1 : i32
        %sub3A_358 = arith.subi %div3A_337, %sub3A_357 : i32
        %select_n3A_359 = arith.select %and3A_356, %sub3A_358, %div3A_337 : i32
        %jit3A_360 = arith.constant 128 : i32
        %eq3A_361 = arith.constant 0 : i32
        %eq3A_362 = arith.cmpi eq, %jit3A_360, %eq3A_361 : i32
        %jit3A_363 = arith.constant 1 : i32
        %select_n3A_364 = arith.select %eq3A_362, %jit3A_363, %jit3A_360 : i32
        %rem3A_365 = arith.remsi %add3A_335, %select_n3A_364 : i32
        %ne3A_366 = arith.constant 0 : i32
        %ne3A_367 = arith.cmpi ne, %rem3A_365, %ne3A_366 : i32
        %lt3A_368 = arith.constant 0 : i32
        %lt3A_369 = arith.cmpi slt, %rem3A_365, %lt3A_368 : i32
        %lt3A_370 = arith.constant 0 : i32
        %lt3A_371 = arith.cmpi slt, %select_n3A_364, %lt3A_370 : i32
        %ne3A_372 = arith.xori %lt3A_369, %lt3A_371 : i1
        %and3A_373 = arith.andi %ne3A_372, %ne3A_367 : i1
        %add3A_374 = arith.addi %rem3A_365, %select_n3A_364 : i32
        %select_n3A_375 = arith.select %and3A_373, %add3A_374, %rem3A_365 : i32
        %mul3A_376 = arith.constant 4 : i32
        %mul3A_377 = arith.muli %select_n3A_375, %mul3A_376 : i32
        %dma_start3A_378 = arith.constant 0 : i32
        %dma_start3A_379 = arith.constant 0 : i32
        %dma_start3A_380 = tpu.memref_slice %arg2[%select_n3A_359, %dma_start3A_378, %mul3A_377, %dma_start3A_379] : memref<8x19x512x512xf32, #tpu.memory_space<hbm>> -> memref<1x19x4x512xf32, #tpu.memory_space<hbm>>
        %dma_start3A_381 = tpu.memref_squeeze %dma_start3A_380 : memref<1x19x4x512xf32, #tpu.memory_space<hbm>> -> memref<19x4x512xf32, #tpu.memory_space<hbm>>
        %dma_start3A_382 = arith.constant 0 : i32
        %dma_start3A_383 = arith.constant 0 : i32
        %dma_start3A_384 = tpu.memref_slice %arg2[%select_n3A_359, %dma_start3A_382, %mul3A_377, %dma_start3A_383] : memref<8x19x512x512xf32, #tpu.memory_space<hbm>> -> memref<1x19x4x512xf32, #tpu.memory_space<hbm>>
        %dma_start3A_385 = tpu.memref_squeeze %dma_start3A_384 : memref<1x19x4x512xf32, #tpu.memory_space<hbm>> -> memref<19x4x512xf32, #tpu.memory_space<hbm>>
        tpu.enqueue_dma source(%dma_start3A_385 : memref<19x4x512xf32, #tpu.memory_space<hbm>>) target(%arg6 : memref<19x4x512xf32, #tpu.memory_space<vmem>>) target_semaphore(%arg11 : memref<!tpu.dma_semaphore, #tpu.memory_space<semaphore_mem>>)
        %mul3A_386 = arith.constant 262144 : i32
        %mul3A_387 = arith.muli %select_n3A_359, %mul3A_386 : i32
        %mul3A_388 = arith.constant 512 : i32
        %mul3A_389 = arith.muli %mul3A_377, %mul3A_388 : i32
        %add3A_390 = arith.addi %mul3A_387, %mul3A_389 : i32
        %dma_start3A_391 = tpu.memref_slice %arg3[%add3A_390] : memref<2097152xi32, #tpu.memory_space<hbm>> -> memref<2048xi32, #tpu.memory_space<hbm>>
        %dma_start3A_392 = tpu.memref_slice %arg3[%add3A_390] : memref<2097152xi32, #tpu.memory_space<hbm>> -> memref<2048xi32, #tpu.memory_space<hbm>>
        tpu.enqueue_dma source(%dma_start3A_392 : memref<2048xi32, #tpu.memory_space<hbm>>) target(%arg8 : memref<2048xi32, #tpu.memory_space<vmem>>) target_semaphore(%arg11 : memref<!tpu.dma_semaphore, #tpu.memory_space<semaphore_mem>>)
      } else {
      }
      scf.yield %parallel_loop3A_322#0, %parallel_loop3A_322#1, %parallel_loop3A_322#2, %parallel_loop3A_322#3 : vector<16xf32>, vector<16xf32>, vector<16xi32>, vector<16xf32>
    }
    %scan3A_117 = arith.constant 16 : i32
    %bitcast_convert_type3A = tpu.bitcast %scan3A_116#3 : vector<16xf32> -> vector<16xi32>
    %shift_right_arithmetic3A = arith.constant 23 : i32
    %shift_right_arithmetic3A_118 = vector.broadcast %shift_right_arithmetic3A : i32 to vector<16xi32>
    %shift_right_arithmetic3A_119 = arith.shrsi %bitcast_convert_type3A, %shift_right_arithmetic3A_118 : vector<16xi32>
    %and3A_120 = arith.constant 255 : i32
    %and3A_121 = vector.broadcast %and3A_120 : i32 to vector<16xi32>
    %and3A_122 = arith.andi %shift_right_arithmetic3A_119, %and3A_121 : vector<16xi32>
    %sub3A_123 = arith.constant 127 : i32
    %sub3A_124 = vector.broadcast %sub3A_123 : i32 to vector<16xi32>
    %sub3A_125 = arith.subi %and3A_122, %sub3A_124 : vector<16xi32>
    %and3A_126 = arith.constant 8388607 : i32
    %and3A_127 = vector.broadcast %and3A_126 : i32 to vector<16xi32>
    %and3A_128 = arith.andi %bitcast_convert_type3A, %and3A_127 : vector<16xi32>
    %or3A = arith.constant 1065353216 : i32
    %or3A_129 = vector.broadcast %or3A : i32 to vector<16xi32>
    %or3A_130 = arith.ori %and3A_128, %or3A_129 : vector<16xi32>
    %bitcast_convert_type3A_131 = tpu.bitcast %or3A_130 : vector<16xi32> -> vector<16xf32>
    %sub3A_132 = arith.constant 1.000000e+00 : f32
    %sub3A_133 = vector.broadcast %sub3A_132 : f32 to vector<16xf32>
    %sub3A_134 = arith.subf %bitcast_convert_type3A_131, %sub3A_133 : vector<16xf32>
    %add3A_135 = arith.constant 1.000000e+00 : f32
    %add3A_136 = vector.broadcast %add3A_135 : f32 to vector<16xf32>
    %add3A_137 = arith.addf %bitcast_convert_type3A_131, %add3A_136 : vector<16xf32>
    %div3A_138 = arith.divf %sub3A_134, %add3A_137 : vector<16xf32>
    %mul3A_139 = arith.mulf %div3A_138, %div3A_138 : vector<16xf32>
    %mul3A_140 = arith.constant 0.285714298 : f32
    %mul3A_141 = vector.broadcast %mul3A_140 : f32 to vector<16xf32>
    %mul3A_142 = arith.mulf %mul3A_139, %mul3A_141 : vector<16xf32>
    %add3A_143 = arith.constant 4.000000e-01 : f32
    %add3A_144 = vector.broadcast %add3A_143 : f32 to vector<16xf32>
    %add3A_145 = arith.addf %add3A_144, %mul3A_142 : vector<16xf32>
    %mul3A_146 = arith.mulf %mul3A_139, %add3A_145 : vector<16xf32>
    %add3A_147 = arith.constant 0.666666686 : f32
    %add3A_148 = vector.broadcast %add3A_147 : f32 to vector<16xf32>
    %add3A_149 = arith.addf %add3A_148, %mul3A_146 : vector<16xf32>
    %mul3A_150 = arith.mulf %mul3A_139, %add3A_149 : vector<16xf32>
    %add3A_151 = arith.constant 2.000000e+00 : f32
    %add3A_152 = vector.broadcast %add3A_151 : f32 to vector<16xf32>
    %add3A_153 = arith.addf %add3A_152, %mul3A_150 : vector<16xf32>
    %mul3A_154 = arith.mulf %div3A_138, %add3A_153 : vector<16xf32>
    %convert_element_type3A = arith.sitofp %sub3A_125 : vector<16xi32> to vector<16xf32>
    %mul3A_155 = arith.constant 0.693147182 : f32
    %mul3A_156 = vector.broadcast %mul3A_155 : f32 to vector<16xf32>
    %mul3A_157 = arith.mulf %convert_element_type3A, %mul3A_156 : vector<16xf32>
    %add3A_158 = arith.addf %mul3A_157, %mul3A_154 : vector<16xf32>
    %convert_element_type3A_159 = arith.sitofp %scan3A_116#2 : vector<16xi32> to vector<16xf32>
    %sub3A_160 = arith.constant 0x497E0000 : f32
    %sub3A_161 = vector.broadcast %sub3A_160 : f32 to vector<16xf32>
    %sub3A_162 = arith.subf %convert_element_type3A_159, %sub3A_161 : vector<16xf32>
    %mul3A_163 = arith.constant 0.693147182 : f32
    %mul3A_164 = vector.broadcast %mul3A_163 : f32 to vector<16xf32>
    %mul3A_165 = arith.mulf %mul3A_164, %sub3A_162 : vector<16xf32>
    %add3A_166 = arith.addf %add3A_158, %mul3A_165 : vector<16xf32>
    %mul3A_167 = arith.constant 0.894444465 : f32
    %mul3A_168 = vector.broadcast %mul3A_167 : f32 to vector<16xf32>
    %mul3A_169 = arith.mulf %mul3A_168, %scan3A_116#0 : vector<16xf32>
    %sub3A_170 = arith.subf %add3A_166, %mul3A_169 : vector<16xf32>
    %mul3A_171 = arith.constant 0.00555555569 : f32
    %mul3A_172 = vector.broadcast %mul3A_171 : f32 to vector<16xf32>
    %mul3A_173 = arith.mulf %mul3A_172, %scan3A_116#1 : vector<16xf32>
    %sub3A_174 = arith.subf %sub3A_170, %mul3A_173 : vector<16xf32>
    %swap3A = arith.constant 0 : index
    %swap3A_175 = tpu.vector_load %arg9[%swap3A] {strides = array<i32>} : memref<16xf32, #tpu.memory_space<vmem>>, vector<16xf32>,
    %swap3A_176 = vector.shape_cast %swap3A_175 : vector<16xf32> to vector<16xf32>
    %swap3A_177 = vector.shape_cast %sub3A_174 : vector<16xf32> to vector<16xf32>
    tpu.vector_store %arg9[%swap3A], %swap3A_177 {strides = array<i32>} : memref<16xf32, #tpu.memory_space<vmem>>, vector<16xf32>,
    "tpu.region"() ({
      %run_scoped3A = tpu.sem_alloc : memref<!tpu.dma_semaphore, #tpu.memory_space<semaphore_mem>>
      %dma_start3A_178 = arith.constant 0 : i32
      %dma_start3A_179 = tpu.memref_slice %arg4[%add3A, %dma_start3A_178] : memref<32x16xf32, #tpu.memory_space<hbm>> -> memref<1x16xf32, #tpu.memory_space<hbm>>
      %dma_start3A_180 = tpu.memref_squeeze %dma_start3A_179 : memref<1x16xf32, #tpu.memory_space<hbm>> -> memref<16xf32, #tpu.memory_space<hbm>>
      %dma_start3A_181 = arith.constant 0 : i32
      %dma_start3A_182 = tpu.memref_slice %arg4[%add3A, %dma_start3A_181] : memref<32x16xf32, #tpu.memory_space<hbm>> -> memref<1x16xf32, #tpu.memory_space<hbm>>
      %dma_start3A_183 = tpu.memref_squeeze %dma_start3A_182 : memref<1x16xf32, #tpu.memory_space<hbm>> -> memref<16xf32, #tpu.memory_space<hbm>>
      tpu.enqueue_dma source(%arg9 : memref<16xf32, #tpu.memory_space<vmem>>) target(%dma_start3A_183 : memref<16xf32, #tpu.memory_space<hbm>>) target_semaphore(%run_scoped3A : memref<!tpu.dma_semaphore, #tpu.memory_space<semaphore_mem>>)
      %dma_wait3A = arith.constant 0 : i32
      %dma_wait3A_184 = tpu.memref_slice %arg4[%add3A, %dma_wait3A] : memref<32x16xf32, #tpu.memory_space<hbm>> -> memref<1x16xf32, #tpu.memory_space<hbm>>
      %dma_wait3A_185 = tpu.memref_squeeze %dma_wait3A_184 : memref<1x16xf32, #tpu.memory_space<hbm>> -> memref<16xf32, #tpu.memory_space<hbm>>
      %dma_wait3A_186 = arith.constant 0 : i32
      %dma_wait3A_187 = tpu.memref_slice %arg4[%add3A, %dma_wait3A_186] : memref<32x16xf32, #tpu.memory_space<hbm>> -> memref<1x16xf32, #tpu.memory_space<hbm>>
      %dma_wait3A_188 = tpu.memref_squeeze %dma_wait3A_187 : memref<1x16xf32, #tpu.memory_space<hbm>> -> memref<16xf32, #tpu.memory_space<hbm>>
      tpu.wait_dma2 semaphore(%run_scoped3A : memref<!tpu.dma_semaphore, #tpu.memory_space<semaphore_mem>>) src(%arg9 : memref<16xf32, #tpu.memory_space<vmem>>) dst(%dma_wait3A_188 : memref<16xf32, #tpu.memory_space<hbm>>)
      tpu.yield
    }) : () -> ()
    return
  }
}

</mosaic_0001>

<sc_bundles>
// kernel: kernel.3.cloned.1.call-start
scs
__scs_entry_jumppad:
0x0: {  	(pc) =	sbr.rel $0x88, $3  }
0x1: {  	(tag) =	ssettag $0x0;
	lr =	simm.s32 $0x1  }
0x2: {  	[smem:$0x3F9F] =	sst lr;
	_ =	strace $0xD0000000  }
0x3: {  	_ = 	snop  }
0x4: {  	_ = 	snop  }
0x5: {  	_ = 	snop  }
0x6: {  	_ = 	snop  }
0x7: {  	_ = 	snop  }
__scs_overlays_trampoline_lowered:
0x8: {  	[smem:$0x3FAE] =	sst s0  }
0x9: {  	[smem:$0x3FAF] =	sst s1  }
0xa: {  	[smem:$0x3FB0] =	sst s2  }
0xb: {  	[smem:$0x3FB1] =	sst s3  }
0xc: {  	[smem:$0x3FB2] =	sst s4  }
0xd: {  	[smem:$0x3FB3] =	sst s5  }
0xe: {  	[smem:$0x3FB4] =	sst s6  }
0xf: {  	[smem:$0x3FB5] =	sst s7  }
0x10: {  	[smem:$0x3FB6] =	sst s8  }
0x11: {  	[smem:$0x3FB7] =	sst s9;
	s0 =	simm.s32 @!p0 $0x0  }
0x12: {  	s1 =	sld [smem:$0x3F9D];
	s0 =	simm.s32 @p0 $0x1  }
0x13: {  	[smem:$0x3FB8] =	sst s0;
	s0 =	simm.s32 @!p1 $0x0  }
0x14: {  	s2 =	sld [smem:$0x3F9C];
	s0 =	simm.s32 @p1 $0x1  }
0x15: {  	[smem:$0x3FB9] =	sst s0;
	s0 =	simm.s32 @!p2 $0x0  }
0x16: {  	s3 =	sld [smem:$0x3FDB];
	s0 =	simm.s32 @p2 $0x1  }
0x17: {  	s4 =	simm.s32 $0x1BF5;
	[smem:$0x3FBB] =	sst s0  }
0x18: {  	s0 =	sld [smem:$0x3F9E];
	_ =	swait.ge [sflag:s4], $0x0  }
0x19: {  	s7 =	sld [smem:$0x3F9F]  }
0x1a: {  	s8 =	sadd.s32 $0xFFFFE003, lr  }
0x1b: {  	s9 =	sadd.s32 $0xFFFFFEF7, lr;
	s5 =	simm.s32 $0xFFFFFFFF;
	p2 =	slt.u32 s8, $0xFFFFF086  }
0x1c: {  	p1 =	slt.u32 s9, $0xF7A;
	s5 =	simm.s32 @!p2 $0x0  }
0x1d: {  	s5 =	simm.s32 @p1 $0x1;
	p0 =	seq.s32 s7, s2  }
0x1e: {  	s7 =	smul.u32 @!p0 $0xF7A, s2;
	p2 =	seq.s32 @!p0 s5, $0x0  }
0x1f: {  	s9 =	smul.u32 $0xF7A, s1;
	s8 =	simm.s32 @!p0 $0x1BF5;
	p2 =	por !p2, p0  }
0x20: {  	[sflag:s8] =	ssyncset.s32 @!p0 $0xFFFFF086;
	s6 =	sadd.s32 @!p0 s3, s7;
	s7 =	simm.s32 @!p0 $0x108  }
0x21: {  	s3 =	sadd.s32 s3, s9;
	s6 =	sadd.s32 @!p0 $0x88, s6;
	s7 =	simm.s32 @p2 $0x1082  }
0x22: {  	[simem:s7], [sflag:s8] =	dma.local @!p0 [hbm:s6], $0xF7A  }
0x23: {  	s9 =	sor.u32 $0xD0000000, s2;
	s6 =	simm.s32 $0x108;
	_ =	swait.ge @!p0 [sflag:s8], $0x0  }
0x24: {  	s3 =	sadd.s32 $0x88, s3;
	s6 =	simm.s32 @!p1 $0x1082;
	[sflag:s4] =	ssyncset.s32 $0xFFFFF086  }
0x25: {  	[simem:s6], [sflag:s4] =	dma.local [hbm:s3], $0xF7A  }
0x26: {  	[smem:$0x3F9F] =	sst s1;
	(tag) =	ssettag s2;
	_ =	strace s9  }
0x27: {  	s1 =	sld [smem:$0x3FAF]  }
0x28: {  	s2 =	sld [smem:$0x3FB0]  }
0x29: {  	s4 =	sld [smem:$0x3FB2]  }
0x2a: {  	p0 =	seq.s32 s5, $0x0;
	s5 =	sld [smem:$0x3FB3]  }
0x2b: {  	s6 =	sld [smem:$0x3FB4]  }
0x2c: {  	s7 =	sld [smem:$0x3FB5]  }
0x2d: {  	s3 =	simm.s32 $0x108;
	s8 =	sld [smem:$0x3FB6]  }
0x2e: {  	s3 =	simm.s32 @!p0 $0x1082;
	s9 =	sld [smem:$0x3FB7]  }
0x2f: {  	lr =	sadd.s32 s0, s3;
	s0 =	sld [smem:$0x3FAE]  }
0x30: {  	s3 =	sld [smem:$0x3FB1]  }
0x31: {  	[smem:$0x3FBA] =	sst s10  }
0x32: {  	s10 =	sld [smem:$0x3FB8];
	_ =	sdelay $0x3  }
0x33: {  	p0 =	seq.s32 s10, $0x1;
	s10 =	sld [smem:$0x3FBA];
	_ =	sdelay $0x3  }
0x34: {  	[smem:$0x3FBA] =	sst s10  }
0x35: {  	s10 =	sld [smem:$0x3FB9];
	_ =	sdelay $0x3  }
0x36: {  	p1 =	seq.s32 s10, $0x1;
	s10 =	sld [smem:$0x3FBA];
	_ =	sdelay $0x3  }
0x37: {  	[smem:$0x3FBA] =	sst s10  }
0x38: {  	s10 =	sld [smem:$0x3FBB]  }
0x39: {  	_ = 	snop;
	(pc) =	sbr.ind lr, $3  }
0x3a: {  	_ = 	snop  }
0x3b: {  	_ = 	snop  }
0x3c: {  	p2 =	seq.s32 s10, $0x1;
	s10 =	sld [smem:$0x3FBA]  }
0x3d: {  	_ =	shalt  }
0x3e: {  	_ =	shalt  }
0x3f: {  	_ =	shalt  }
0x40: {  	_ =	shalt  }
0x41: {  	_ =	shalt  }
0x42: {  	_ =	shalt  }
0x43: {  	_ =	shalt  }
0x44: {  	_ =	shalt  }
0x45: {  	_ =	shalt  }
0x46: {  	_ =	shalt  }
0x47: {  	_ =	shalt  }
0x48: {  	_ =	shalt  }
0x49: {  	_ =	shalt  }
0x4a: {  	_ =	shalt  }
0x4b: {  	_ =	shalt  }
0x4c: {  	_ =	shalt  }
0x4d: {  	_ =	shalt  }
0x4e: {  	_ =	shalt  }
0x4f: {  	_ =	shalt  }
0x50: {  	_ =	shalt  }
0x51: {  	_ =	shalt  }
0x52: {  	_ =	shalt  }
0x53: {  	_ =	shalt  }
0x54: {  	_ =	shalt  }
0x55: {  	_ =	shalt  }
0x56: {  	_ =	shalt  }
0x57: {  	_ =	shalt  }
0x58: {  	_ =	shalt  }
0x59: {  	_ =	shalt  }
0x5a: {  	_ =	shalt  }
0x5b: {  	_ =	shalt  }
0x5c: {  	_ =	shalt  }
0x5d: {  	_ =	shalt  }
0x5e: {  	_ =	shalt  }
0x5f: {  	_ =	shalt  }
0x60: {  	_ =	shalt  }
0x61: {  	_ =	shalt  }
0x62: {  	_ =	shalt  }
0x63: {  	_ =	shalt  }
0x64: {  	_ =	shalt  }
0x65: {  	_ =	shalt  }
0x66: {  	_ =	shalt  }
0x67: {  	_ =	shalt  }
0x68: {  	_ =	shalt  }
0x69: {  	_ =	shalt  }
0x6a: {  	_ =	shalt  }
0x6b: {  	_ =	shalt  }
0x6c: {  	_ =	shalt  }
0x6d: {  	_ =	shalt  }
0x6e: {  	_ =	shalt  }
0x6f: {  	_ =	shalt  }
0x70: {  	_ =	shalt  }
0x71: {  	_ =	shalt  }
0x72: {  	_ =	shalt  }
0x73: {  	_ =	shalt  }
0x74: {  	_ =	shalt  }
0x75: {  	_ =	shalt  }
0x76: {  	_ =	shalt  }
0x77: {  	_ =	shalt  }
0x78: {  	_ =	shalt  }
0x79: {  	_ =	shalt  }
0x7a: {  	_ =	shalt  }
0x7b: {  	_ =	shalt  }
0x7c: {  	_ =	shalt  }
0x7d: {  	_ =	shalt  }
0x7e: {  	_ =	shalt  }
0x7f: {  	_ =	shalt  }
0x80: {  	_ =	shalt  }
0x81: {  	_ =	shalt  }
0x82: {  	_ =	shalt  }
0x83: {  	_ =	shalt  }
0x84: {  	_ =	shalt  }
0x85: {  	_ =	shalt  }
0x86: {  	_ =	shalt  }
0x87: {  	_ =	shalt  }
.Lfunc_end0:
.L_simem_size_0:
called_computation_lowered:
.L_overlay_start_0:
0x88: {  	s2 =	sld [smem:$0x3FD9]  }
0x89: {  	s3 =	sld [smem:$0x3FFE];
	_ =	sdelay $0x1  }
0x8a: {  	s1 =	srdreg.scid  }
0x8b: {  	s0 =	sand.u32 $0x1, s1  }
0x8c: {  	s17 =	sshll.u32 s0, $0xA;
	s2 =	sadd.s32 s3, s2  }
0x8d: {  	s2 =	sadd.s32 s2, s17  }
0x8e: {  	[smem:$0x3FC6] =	sst s2  }
0x8f: {  	_ = 	snop  }
0x90: {  	s2 =	sld [smem:$0x3FC9];
	(tm) =	ssettm $0x1  }
0x91: {  	s18 =	sld [smem:$0x3FFB];
	_ =	sdelay $0x3  }
0x92: {  	_ =	strace s18  }
0x93: {  	s3 =	sld [smem:$0x3FFC];
	_ =	sdelay $0x3  }
0x94: {  	_ =	strace s3  }
0x95: {  	s3 =	sld [smem:$0x3FFD];
	_ =	sdelay $0x3  }
0x96: {  	_ =	strace s3  }
0x97: {  	_ =	strace $0x8FFFFFFF  }
0x98: {  	s19 =	sld [smem:$0x3FDB];
	_ =	sdelay $0x1  }
0x99: {  	s4 =	simm.s32 $_scs_section_size  }
0x9a: {  	s5 =	simm.s32 $_size__tile_overlayer_lowered;
	s6 =	simm.s32 $_tile_overlayer_lowered  }
0x9b: {  	s22 =	simm.s32 $0x1BFF;
	s21 =	sshll.u32 s6, $0x1;
	s3 =	sadd.s32 s4, s19  }
0x9c: {  	s7 =	simm.s32 $0x0;
	s20 =	sshll.u32 s5, $0x1;
	s5 =	sadd.s32 s21, s3  }
0x9d: {  	[timem:s7], [sflag:s22] =	dma.local [hbm:s5], s20  }
0x9e: {  	_ =	swait.ge [sflag:s22], s20  }
0x9f: {  	s4 =	ssub.s32 $0x0, s20;
	[sflag:s22] =	ssyncset.done $0x0  }
0xa0: {  	[sflag:s22] =	ssyncadd.s32 s4;
	_ =	sdelay $0x1  }
0xa1: {  	s23 =	simm.s32 $0x1B8B  }
0xa2: {  	_ =	swait.ge [sflag:s23], $0x1  }
0xa3: {  	[sflag:s23] =	ssyncset.done $0x0  }
0xa4: {  	s25 =	simm.s32 $0x1B8E;
	s24 =	sld [smem:$0x3FFE];
	[sflag:s23] =	ssyncadd.s32 $0xFFFFFFFF  }
0xa5: {  	s26 =	simm.s32 $execute0_lowered;
	[smem:$0x3FD2] =	sst s25  }
0xa6: {  	s5 =	sshll.u32 s26, $0x1;
	_ =	strace $0x80000046;
	[dreg:$0x1] =	wrdreg $0xFFFFFFFF  }
0xa7: {  	s28 =	simm.s32 $_size_execute0_lowered;
	s3 =	sadd.s32 s3, s5;
	[dreg:$0x0] =	wrdreg $0x0  }
0xa8: {  	s5 =	sshll.u32 s28, $0x1;
	[dreg:$0x2] =	wrdreg s3  }
0xa9: {  	[dreg:$0x3] =	wrdreg s5  }
0xaa: {  	[dreg:$0x4] =	wrdreg $0xC0  }
0xab: {  	_ =	task [dreg:s7], $0x5FFFF  }
0xac: {  	[dreg:$0x1] =	wrdreg $0xFFFFFFFF  }
0xad: {  	[dreg:$0x0] =	wrdreg $0x60  }
0xae: {  	[dreg:$0x2] =	wrdreg s2  }
0xaf: {  	[dreg:$0x3] =	wrdreg s24  }
0xb0: {  	[dreg:$0x4] =	wrdreg $0x9  }
0xb1: {  	_ =	task.clear_ibuf [dreg:s7], $0x5FFFF;
	_ =	strace $0x90000046  }
0xb2: {  	s29 =	simm.s32 $0x9;
	_ =	strace $0x80000048  }
0xb3: {  	_ =	swait.ge [sflag:s29], $0x1  }
0xb4: {  	[sflag:s29] =	ssyncadd.s32 $0xFFFFFFFF  }
0xb5: {  	_ =	strace $0x90000048  }
0xb6: {  	_ =	sfence  }
0xb7: {  	s30 =	sld [smem:$0x0];
	_ =	sdelay $0x2  }
0xb8: {  	s31 =	sshll.u32 s1, $0xD;
	s1 =	sshrl.u32 s1, $0x2  }
0xb9: {  	s3 =	sand.u32 $0x4000, s31;
	s1 =	sadd.s32 s1, s30  }
0xba: {  	s0 =	sor.u32 s3, s0;
	s1 =	sshll.u32 s1, $0x11  }
0xbb: {  	s0 =	sor.u32 s1, s0  }
0xbc: {  	s0 =	sadd.s32 $0x8F2B, s0  }
0xbd: {  	[sflag:s0] =	ssyncadd.remote.s32 $0x1  }
0xbe: {  	_ =	sfence.sel $0xFFFF  }
0xbf: {  	[dreg:$0x0] =	wrdreg $0xFFFFFFFF;
	(pc) =	sbr.abs _section_cstart, $3  }
0xc0: {  	[dreg:$0x1] =	wrdreg $0xFFFFFFFF  }
0xc1: {  	_ =	task.clear_ibuf [dreg:s7], $0x2FFFF;
	_ =	strace $0x9FFFFFFF  }
0xc2: {  	(tm) =	ssettm $0x7FFFFFFF  }
0xc3: {  	_ =	shalt  }
tec
execute0_lowered:
.L_overlay_start_1:
0x0: {  	(tag) =	ssettag $0x1  }
0x1: {  	s2 =	rddreg [dreg:$0x0]  }
0x2: {  	s3 =	rddreg [dreg:$0x1];
	s5 =	srdreg.scid  }
0x3: {  	s1 =	stileid.u32;
	s4 =	simm.s32 $0x0;
	s13 =	simm.s32 $0x200  }
0x4: {  	s14 =	simm.s32 $0x400;
	s15 =	simm.s32 $0x13000;
	s16 =	simm.s32 $0x13800  }
0x5: {  	s17 =	simm.s32 $0x1;
	s18 =	simm.s32 $0x2;
	s19 =	simm.s32 $0x14000  }
0x6: {  	s20 =	simm.s32 $0x3;
	s21 =	simm.s32 $0x0;
	s5 =	sand.u32 $0x1, s5  }
0x7: {  	s6 =	sshll.u32 s1, $0x1;
	[smem:$0x7FF] =	sst s4;
	s29 =	sshrl.u32 s1, $0x1  }
0x8: {  	s6 =	sor.u32 s5, s6;
	_ =	strace $0x80000047;
	s5 =	ssub.s32 $0x2, s5  }
0x9: {  	s9 =	smul.u32 $0x4C0000, s29;
	s7 =	sshll.u32 s6, $0x4;
	s8 =	sshrl.u32 s5, $0x1  }
0xa: {  	s10 =	sshll.u32 s6, $0x10;
	s11 =	sadd.s32 s7, s3;
	s12 =	ssub.s32 s5, s8  }
.Ltmp0:
0xb: {  	s30 =	sand.u32 $0x30000, s10;
	s7 =	sshll.u32 s29, $0x12;
	(pc) =	sbr.rel .LBB2_1-.Ltmp0, $4  }
0xc: {  	s5 =	sshll.u32 s6, $0x5;
	s6 =	sadd.s32 $0x40, s2;
	s7 =	sor.u32 s7, s30  }
0xd: {  	s31 =	sor.u32 s9, s30;
	s11 =	sadd.s32 $0x40000, s11;
	s8 =	sshrl.u32 s7, $0x3  }
0xe: {  	s12 =	smax.u32 s12, $0x1;
	s9 =	sshrl.u32 s31, $0x3;
	s8 =	sadd.s32 s3, s8  }
0xf: {  	s7 =	sadd.s32 s2, s9;
	s9 =	sadd.s32 s9, s6;
	s10 =	sadd.s32 $0x100, s8  }
.LBB2_18:
0x10: {  	v1 =	vadd.f32 $1.000000000e+00, v6;
	_ =	sdelay $0x1  }
0x11: {  	(erf) = vrcp.f32 v1;
	_ =	sdelay $0x7  }
0x12: {  	v60 =	vadd.f32 $-1.000000000e+00, v6  }
0x13: {  	v2 =	vpop (erf)  }
0x14: {  	v1 =	vmul.f32 v2, v60;
	_ =	sdelay $0x1  }
0x15: {  	v2 =	vmul.f32 v1, v1;
	_ =	sdelay $0x1  }
0x16: {  	v4 =	vmul.f32 $2.857142980e-01, v2;
	_ =	sdelay $0x1  }
0x17: {  	v4 =	vadd.f32 $4.000000060e-01, v4;
	_ =	sdelay $0x1  }
0x18: {  	v4 =	vmul.f32 v4, v2;
	_ =	sdelay $0x1  }
0x19: {  	v4 =	vadd.f32 $6.666666860e-01, v4;
	_ =	sdelay $0x1  }
0x1a: {  	v2 =	vmul.f32 v4, v2;
	_ =	sdelay $0x1  }
0x1b: {  	v61 =	vcvt.s32.f32 v5;
	v2 =	vadd.f32 $2.000000000e+00, v2;
	_ =	sdelay $0x1  }
0x1c: {  	v62 =	vadd.f32 $-1.040384000e+06, v61;
	v1 =	vmul.f32 v2, v1;
	_ =	sdelay $0x1  }
0x1d: {  	v2 =	vmul.f32 $6.931471820e-01, v62;
	v1 =	vadd.f32 $0.0e+00, v1;
	_ =	sdelay $0x1  }
0x1e: {  	v63 =	vmul.f32 $-8.944444650e-01, v3;
	v1 =	vadd.f32 v1, v2;
	_ =	sdelay $0x1  }
0x1f: {  	v0 =	vmul.f32 $-5.555555690e-03, v0;
	v1 =	vadd.f32 v63, v1;
	_ =	sdelay $0x1  }
0x20: {  	s21 =	sadd.s32 $0x1, s21;
	v0 =	vadd.f32 v0, v1  }
0x21: {  	p0 =	sne.s32 s21, s12  }
.Ltmp1:
0x22: {  	[tilespmem:$0x14000] =	vst v0;
	(pc) =	sbr.rel @!p0 .LBB2_19-.Ltmp1, $4  }
0x23: {  	[hbm4b:s11+s4] =	stream.linear.scatter [tilespmem:s19], [sflag:$0x3], $0x80, $0x38;
	[tilespmem:$0x14080] =	vst v63  }
0x24: {  	_ =	swait.ge [sflag:s20], $0x80  }
0x25: {  	[sflag:s20] =	ssyncset.done $0x0  }
0x26: {  	[sflag:s20] =	ssyncadd.s32 $0xFFFFFF80  }
.LBB2_1:
0x27: {  	s22 =	simm.s32 $0x2000  }
0x28: {  	s25 =	simm.s32 $0x0;
	s23 =	sadd.s32 $0x8000, s7;
	s24 =	smov.u32 s7  }
.LBB2_2:
0x29: {  	[tilespmem:s25], [sflag:$0x1] =	stream.strided.gather [hbm4b:s24+s13], $0x800, s14, s13, $0x38;
	[tilespmem:$0x14080] =	vst v63  }
0x2a: {  	s25 =	smov.u32 s22;
	s24 =	smov.u32 s23;
	p0 =	sne.s32 s22, $0x24000  }
.Ltmp2:
0x2b: {  	s22 =	sadd.s32 $0x2000, s22;
	(pc) =	sbr.rel @p0 .LBB2_2-.Ltmp2, $2  }
0x2c: {  	_ =	sdelay $0x2  }
0x2d: {  	s23 =	sadd.s32 $0x8000, s23;
	s25 =	sshra.s32 s25, $0x2  }
0x2e: {  	[tilespmem:s25], [sflag:$0x1] =	stream.strided.gather [hbm4b:s24+s13], $0x800, s14, s13, $0x38;
	[tilespmem:$0x14080] =	vst v63  }
0x2f: {  	s22 =	simm.s32 $0x0  }
0x30: {  	[tilespmem:s15], [sflag:$0x1] =	stream.linear.gather [hbm4b:s8+s22], $0x800, $0x38;
	[tilespmem:$0x14080] =	vst v63  }
0x31: {  	s31 =	simm.s32 $0x9800;
	s23 =	smov.u32 s9;
	s22 =	simm.s32 $0x2000  }
0x32: {  	[tilespmem:s31], [sflag:$0x2] =	stream.strided.gather [hbm4b:s9+s13], $0x800, s14, s13, $0x38;
	[tilespmem:$0x14080] =	vst v63  }
.LBB2_4:
0x33: {  	p0 =	sne.s32 s22, $0x24000  }
.Ltmp3:
0x34: {  	_ = 	snop;
	(pc) =	sbr.rel @p0 .LBB2_4-.Ltmp3, $4  }
0x35: {  	_ = 	snop  }
0x36: {  	s24 =	sshra.s32 s22, $0x2;
	s22 =	sadd.s32 $0x2000, s22  }
0x37: {  	s23 =	sadd.s32 $0x8000, s23;
	s24 =	sadd.s32 $0x9800, s24  }
0x38: {  	[tilespmem:s24], [sflag:$0x2] =	stream.strided.gather [hbm4b:s23+s13], $0x800, s14, s13, $0x38;
	[tilespmem:$0x14080] =	vst v63  }
0x39: {  	s22 =	simm.s32 $0x0;
	v0 =	vimm.f32 $0.0e+00;
	s23 =	simm.s32 $0x0  }
0x3a: {  	v5 =	vimm.s32 $0x0;
	v6 =	vimm.f32 $1.000000000e+00;
	v3 =	vimm.f32 $0.0e+00;
	[tilespmem:s16], [sflag:$0x2] =	stream.linear.gather [hbm4b:s10+s22], $0x800, $0x38;
	[tilespmem:$0x14080] =	vst v63  }
.LBB2_6:
0x3b: {  	_ =	swait.ge [sflag:s17], $0x9800  }
0x3c: {  	[sflag:s17] =	ssyncset.done $0x0  }
0x3d: {  	[sflag:s17] =	ssyncadd.s32 $0xFFFF6800  }
0x3e: {  	s24 =	sand.u32 $0x600, s22;
	_ =	swait.ge [sflag:s17], $0x800  }
0x3f: {  	s25 =	sand.u32 $0x180, s22;
	s26 =	simm.s32 $0x0;
	[sflag:s17] =	ssyncset.done $0x0  }
0x40: {  	s28 =	sand.u32 $0x70, s22;
	s24 =	sor.u32 s25, s24;
	[sflag:s17] =	ssyncadd.s32 $0xFFFFF800  }
0x41: {  	s24 =	sor.u32 s28, s24;
	v2 =	vld [tilespmem:s26+$0x13000]  }
0x42: {  	v4 =	vld [tilespmem:s24+$0x7800]  }
0x43: {  	v1 =	vld [tilespmem:s24+$0x8000]  }
0x44: {  	v7 =	vld [tilespmem:s24+$0x5800]  }
0x45: {  	v9 =	vld [tilespmem:s24+$0x1800]  }
0x46: {  	v13 =	vld [tilespmem:s24+$0x3800]  }
0x47: {  	v15 =	vld [tilespmem:s24+$0x4000]  }
0x48: {  	v8 =	vld [tilespmem:s24+$0x6000]  }
0x49: {  	v16 =	vld [tilespmem:s24+$0x800]  }
0x4a: {  	v22 =	vld [tilespmem:s24+$0x4800];
	v10 =	vand.u32 $0x1, v2;
	v11 =	vand.u32 $0x2, v2;
	v12 =	vmul.f32 $1.442695020e+00, v4  }
0x4b: {  	v24 =	vld [tilespmem:s24+$0x5000];
	v14 =	vand.u32 $0x4, v2;
	v17 =	vmul.f32 $1.442695020e+00, v9;
	v19 =	vmul.f32 $1.442695020e+00, v13  }
0x4c: {  	v25 =	vld [tilespmem:s24+$0x6800];
	v21 =	vmul.f32 $1.442695020e+00, v15;
	vm1 =	veq.s32 v10, $0x0;
	v10 =	vmul.f32 $1.442695020e+00, v1  }
0x4d: {  	vm0 =	veq.s32 v11, $0x0;
	v11 =	vmul.f32 $1.442695020e+00, v7;
	(erf) = vpow2.f32 v12;
	v12 =	vld [tilespmem:s24+$0x0]  }
0x4e: {  	v27 =	vld [tilespmem:s24+$0x7000];
	vm3 =	veq.s32 v14, $0x0;
	v14 =	vmul.f32 $1.442695020e+00, v8;
	(erf) = vpow2.f32 v10  }
0x4f: {  	v30 =	vmul.f32 $1.442695020e+00, v22;
	(erf) = vpow2.f32 v11;
	v11 =	vld [tilespmem:s24+$0x2000]  }
0x50: {  	v32 =	vmul.f32 $1.442695020e+00, v24;
	v10 =	vld [tilespmem:s24+$0x1000];
	(erf) = vpow2.f32 v14  }
0x51: {  	v29 =	vld [tilespmem:s24+$0x8800];
	v33 =	vmul.f32 $1.442695020e+00, v25;
	(erf) = vpow2.f32 v17  }
0x52: {  	v31 =	vld [tilespmem:s24+$0x9000];
	v17 =	vmul.f32 $1.442695020e+00, v12;
	(erf) = vpow2.f32 v19  }
0x53: {  	v18 =	vand.u32 $0x8, v2;
	v14 =	vld [tilespmem:s24+$0x2800];
	v19 =	vmul.f32 $1.442695020e+00, v16;
	(erf) = vpow2.f32 v21  }
0x54: {  	vm2 =	veq.s32 v18, $0x0;
	v18 =	vld [tilespmem:s24+$0x3000];
	(erf) = vpow2.f32 v17;
	v17 =	vmul.f32 $1.442695020e+00, v11  }
0x55: {  	v20 =	vadd.f32 v13, v9;
	v60 =	vmul.f32 $1.442695020e+00, v27;
	v56 =	vmul.f32 $1.442695020e+00, v10  }
0x56: {  	v61 =	vmul.f32 $1.442695020e+00, v29;
	(erf) = vpow2.f32 v19  }
0x57: {  	v62 =	vmul.f32 $1.442695020e+00, v31;
	v20 =	vadd.f32 v7, v20;
	v19 =	vpop (erf);
	(erf) = vpow2.f32 v56  }
0x58: {  	v26 =	vmul.f32 $1.442695020e+00, v14;
	(erf) = vpow2.f32 v17;
	v17 =	vpop (erf)  }
0x59: {  	v7 =	vsel vm1, v24, v7;
	v20 =	vadd.f32 v4, v20;
	v57 =	vmul.f32 $1.442695020e+00, v18;
	v58 =	vpop (erf)  }
0x5a: {  	v23 =	vsel vm1, v12, v16;
	v16 =	vadd.f32 v14, v16;
	(erf) = vpow2.f32 v26;
	v59 =	vpop (erf)  }
0x5b: {  	v4 =	vsel vm1, v27, v4;
	v12 =	vadd.f32 v11, v12;
	(erf) = vpow2.f32 v57;
	v34 =	vpop (erf)  }
0x5c: {  	v13 =	vsel vm1, v18, v13;
	v16 =	vadd.f32 v22, v16;
	(erf) = vpow2.f32 v30;
	v35 =	vpop (erf)  }
0x5d: {  	v28 =	vadd.f32 v18, v10;
	v12 =	vadd.f32 v15, v12;
	(erf) = vpow2.f32 v32;
	v36 =	vpop (erf)  }
0x5e: {  	v9 =	vsel vm1, v10, v9;
	v16 =	vadd.f32 v25, v16;
	(erf) = vpow2.f32 v33;
	v37 =	vpop (erf)  }
0x5f: {  	v9 =	vsel vm0, v23, v9;
	v12 =	vadd.f32 v8, v12;
	(erf) = vpow2.f32 v60;
	v63 =	vpop (erf)  }
0x60: {  	v11 =	vsel vm1, v11, v14;
	v16 =	vadd.f32 v29, v16;
	(erf) = vpow2.f32 v61;
	v10 =	vpop (erf)  }
0x61: {  	v14 =	vsel vm1, v15, v22;
	v12 =	vadd.f32 v1, v12;
	(erf) = vpow2.f32 v62;
	v15 =	vpop (erf)  }
0x62: {  	v28 =	vadd.f32 v24, v28;
	v11 =	vsel vm0, v11, v13;
	v15 =	vadd.f32 v15, v37  }
0x63: {  	s30 =	simm.s32 $0x4;
	s24 =	simm.s32 $0x40;
	v7 =	vsel vm0, v14, v7;
	v9 =	vsel vm3, v9, v11;
	v12 =	vadd.f32 v16, v12;
	v18 =	vpop (erf)  }
0x64: {  	s25 =	simm.s32 $0x10;
	s28 =	sand.u32 $0x180, s30;
	s31 =	sand.u32 $0x600, s24;
	v8 =	vsel vm1, v8, v25;
	v16 =	vpop (erf);
	v18 =	vadd.f32 v18, v63;
	v15 =	vadd.f32 v36, v15  }
0x65: {  	s30 =	sand.u32 $0x70, s25;
	s26 =	sor.u32 s28, s31;
	v4 =	vsel vm0, v8, v4;
	v10 =	vadd.f32 v16, v10;
	v13 =	vpop (erf);
	v16 =	vadd.f32 v35, v34  }
0x66: {  	s28 =	sor.u32 s30, s26;
	v4 =	vsel vm3, v7, v4;
	v14 =	vpop (erf);
	v13 =	vadd.f32 v13, v18;
	v15 =	vadd.f32 v59, v15  }
0x67: {  	v9 =	vsel vm2, v9, v4;
	v4 =	vld [tilespmem:s28+$0x8000];
	v10 =	vadd.f32 v14, v10;
	v8 =	vpop (erf);
	v14 =	vadd.f32 v58, v16  }
0x68: {  	s29 =	simm.s32 $0x10;
	v28 =	vadd.f32 v27, v28;
	v11 =	vpop (erf);
	v8 =	vadd.f32 v8, v13  }
0x69: {  	v10 =	vadd.f32 v11, v10;
	v7 =	vpop (erf);
	v11 =	vadd.f32 v19, v14;
	v14 =	vsel vm1, v1, v29;
	v1 =	vld [tilespmem:s29+$0x13000]  }
0x6a: {  	v28 =	vadd.f32 v31, v28;
	v13 =	vadd.f32 v17, v15;
	v15 =	vpop (erf)  }
0x6b: {  	v2 =	vand.u32 $0x10, v2;
	v8 =	vadd.f32 v7, v8;
	v7 =	vld [tilespmem:s28+$0x7800];
	v10 =	vadd.f32 v15, v10  }
0x6c: {  	v16 =	vmul.f32 $1.442695020e+00, v4;
	v14 =	vsel vm0, v14, v31;
	v15 =	vadd.f32 v28, v20  }
0x6d: {  	vm0 =	veq.s32 v2, $0x0;
	v13 =	vadd.f32 v8, v13;
	v8 =	vld [tilespmem:s28+$0x5800];
	v10 =	vadd.f32 v10, v11  }
0x6e: {  	v2 =	vadd.f32 v15, v12;
	v11 =	vsel vm0, v9, v14;
	v12 =	vand.u32 $0x4, v1  }
0x6f: {  	v9 =	vld [tilespmem:s28+$0x6000];
	v3 =	vadd.f32 v11, v3;
	v11 =	vand.u32 $0x2, v1;
	v13 =	vadd.f32 v10, v13  }
0x70: {  	v14 =	vmul.f32 $1.442695020e+00, v7;
	vm2 =	veq.s32 v12, $0x0;
	v10 =	vand.u32 $0x1, v1  }
0x71: {  	vm0 =	veq.s32 v11, $0x0;
	v11 =	vld [tilespmem:s28+$0x1800];
	vm1 =	veq.s32 v10, $0x0;
	v10 =	vand.u32 $0x7FFFFF, v13  }
0x72: {  	v19 =	vmul.f32 $1.442695020e+00, v8;
	(erf) = vpow2.f32 v14;
	v15 =	vor.u32 $0x3F800000, v10;
	v10 =	vld [tilespmem:s28+$0x3800]  }
0x73: {  	v12 =	vld [tilespmem:s28+$0x4000];
	v13 =	vshra.s32 v13, $0x17;
	(erf) = vpow2.f32 v16;
	v6 =	vmul.f32 v15, v6  }
0x74: {  	v14 =	vld [tilespmem:s28+$0x0];
	v16 =	vand.u32 $0x8, v1;
	v17 =	vmul.f32 $1.442695020e+00, v9;
	v5 =	vadd.s32 v5, v13  }
0x75: {  	(erf) = vpow2.f32 v19;
	v15 =	vld [tilespmem:s28+$0x800];
	v13 =	vshra.s32 v6, $0x17;
	v6 =	vand.u32 $0x7FFFFF, v6  }
0x76: {  	s26 =	simm.s32 $0x8;
	v18 =	vmul.f32 $1.442695020e+00, v11;
	v5 =	vadd.s32 v13, v5;
	v6 =	vor.u32 $0x3F800000, v6;
	v13 =	vld [tilespmem:s28+$0x1000]  }
.LBB2_7:
0x77: {  	p0 =	sne.s32 s26, $0x1FC;
	v19 =	vld [tilespmem:s28+$0x2000];
	v20 =	vmul.f32 $1.442695020e+00, v10;
	v21 =	vadd.f32 v10, v11;
	(erf) = vpow2.f32 v17  }
0x78: {  	vm3 =	veq.s32 v16, $0x0;
	v17 =	vld [tilespmem:s28+$0x2800];
	v22 =	vmul.f32 $1.442695020e+00, v12;
	(erf) = vpow2.f32 v18  }
0x79: {  	v16 =	vmul.f32 $1.442695020e+00, v14;
	v18 =	vld [tilespmem:s28+$0x3000];
	v21 =	vadd.f32 v8, v21;
	(erf) = vpow2.f32 v20  }
0x7a: {  	v27 =	vmul.f32 $1.442695020e+00, v15;
	v23 =	vld [tilespmem:s28+$0x4800];
	v24 =	vsel vm1, v14, v15;
	(erf) = vpow2.f32 v22  }
0x7b: {  	v22 =	vmul.f32 $1.442695020e+00, v13;
	v25 =	vld [tilespmem:s28+$0x5000];
	v21 =	vadd.f32 v7, v21;
	(erf) = vpow2.f32 v16  }
0x7c: {  	v31 =	vmul.f32 $1.442695020e+00, v19;
	v14 =	vadd.f32 v19, v14;
	v26 =	vld [tilespmem:s28+$0x6800];
	(erf) = vpow2.f32 v27;
	v20 =	vpop (erf)  }
0x7d: {  	v33 =	vmul.f32 $1.442695020e+00, v17;
	v15 =	vadd.f32 v17, v15;
	v28 =	vld [tilespmem:s28+$0x7000];
	(erf) = vpow2.f32 v22  }
0x7e: {  	v34 =	vmul.f32 $1.442695020e+00, v18;
	v29 =	vadd.f32 v18, v13;
	v30 =	vld [tilespmem:s28+$0x8800];
	(erf) = vpow2.f32 v31;
	v16 =	vpop (erf)  }
0x7f: {  	v14 =	vadd.f32 v12, v14;
	v31 =	vmul.f32 $1.442695020e+00, v23;
	v32 =	vld [tilespmem:s28+$0x9000];
	(erf) = vpow2.f32 v33;
	v27 =	vpop (erf)  }
0x80: {  	v15 =	vadd.f32 v23, v15;
	v33 =	vmul.f32 $1.442695020e+00, v25;
	(erf) = vpow2.f32 v34;
	v22 =	vpop (erf)  }
0x81: {  	v29 =	vadd.f32 v25, v29;
	v34 =	vmul.f32 $1.442695020e+00, v26;
	v35 =	vpop (erf);
	(erf) = vpow2.f32 v31  }
0x82: {  	v14 =	vadd.f32 v9, v14;
	v39 =	vmul.f32 $1.442695020e+00, v28;
	v36 =	vpop (erf);
	(erf) = vpow2.f32 v33  }
0x83: {  	v15 =	vadd.f32 v26, v15;
	v33 =	vmul.f32 $1.442695020e+00, v30;
	v37 =	vpop (erf);
	(erf) = vpow2.f32 v34  }
0x84: {  	v29 =	vadd.f32 v28, v29;
	v34 =	vmul.f32 $1.442695020e+00, v32;
	v38 =	vpop (erf);
	(erf) = vpow2.f32 v39  }
0x85: {  	v14 =	vadd.f32 v4, v14;
	v15 =	vadd.f32 v30, v15;
	v31 =	vpop (erf);
	(erf) = vpow2.f32 v33  }
0x86: {  	v11 =	vsel vm1, v13, v11;
	v29 =	vadd.f32 v32, v29;
	v13 =	vpop (erf);
	(erf) = vpow2.f32 v34  }
0x87: {  	v17 =	vsel vm1, v19, v17;
	v10 =	vsel vm1, v18, v10;
	v12 =	vsel vm1, v12, v23;
	v18 =	vpop (erf)  }
0x88: {  	v8 =	vsel vm1, v25, v8;
	v9 =	vsel vm1, v9, v26;
	v7 =	vsel vm1, v28, v7;
	v19 =	vpop (erf)  }
0x89: {  	v11 =	vsel vm0, v24, v11;
	v14 =	vadd.f32 v15, v14;
	v18 =	vadd.f32 v18, v38;
	v15 =	vpop (erf)  }
0x8a: {  	v10 =	vsel vm0, v17, v10;
	v19 =	vadd.f32 v19, v31;
	v13 =	vadd.f32 v15, v13;
	v15 =	vpop (erf)  }
0x8b: {  	v8 =	vsel vm0, v12, v8;
	v17 =	vadd.f32 v36, v35;
	v18 =	vadd.f32 v37, v18;
	v12 =	vpop (erf)  }
0x8c: {  	v23 =	vadd.f32 v15, v19;
	v19 =	vsel vm0, v9, v7;
	v12 =	vadd.f32 v12, v13;
	v9 =	vpop (erf)  }
0x8d: {  	s24 =	sadd.s32 $0x40, s24;
	v10 =	vsel vm2, v11, v10;
	v13 =	vadd.f32 v27, v17;
	v17 =	vadd.f32 v22, v18;
	v11 =	vpop (erf)  }
0x8e: {  	s29 =	sand.u32 $0x180, s26;
	s25 =	sadd.s32 $0x10, s25;
	s28 =	sand.u32 $0x600, s24;
	v8 =	vsel vm2, v8, v19;
	v9 =	vadd.f32 v9, v23;
	v11 =	vadd.f32 v11, v12;
	v7 =	vpop (erf)  }
0x8f: {  	s30 =	sshra.s32 s24, $0x2;
	s31 =	sand.u32 $0x70, s25;
	s28 =	sor.u32 s29, s28;
	v4 =	vsel vm1, v4, v30;
	v12 =	vadd.f32 v20, v13;
	v13 =	vadd.f32 v16, v17;
	v15 =	vpop (erf)  }
0x90: {  	s28 =	sor.u32 s31, s28;
	v9 =	vadd.f32 v7, v9;
	v11 =	vadd.f32 v15, v11;
	v15 =	vand.u32 $0x10, v1;
	v1 =	vld [tilespmem:s30+$0x13000]  }
0x91: {  	v10 =	vsel vm3, v10, v8;
	v16 =	vadd.f32 v29, v21;
	v17 =	vsel vm0, v4, v32;
	v7 =	vld [tilespmem:s28+$0x7800]  }
0x92: {  	v13 =	vadd.f32 v9, v13;
	vm0 =	veq.s32 v15, $0x0;
	v4 =	vld [tilespmem:s28+$0x8000];
	v11 =	vadd.f32 v11, v12  }
0x93: {  	v0 =	vadd.f32 v2, v0;
	v2 =	vadd.f32 v16, v14;
	v10 =	vsel vm0, v10, v17;
	v8 =	vld [tilespmem:s28+$0x5800]  }
0x94: {  	v3 =	vadd.f32 v10, v3;
	v9 =	vld [tilespmem:s28+$0x6000];
	v13 =	vadd.f32 v11, v13  }
0x95: {  	v10 =	vand.u32 $0x1, v1;
	v11 =	vand.u32 $0x2, v1;
	v12 =	vand.u32 $0x4, v1  }
0x96: {  	vm1 =	veq.s32 v10, $0x0;
	vm0 =	veq.s32 v11, $0x0;
	v10 =	vand.u32 $0x7FFFFF, v13  }
0x97: {  	v14 =	vmul.f32 $1.442695020e+00, v7;
	v11 =	vld [tilespmem:s28+$0x1800];
	v16 =	vmul.f32 $1.442695020e+00, v4;
	v15 =	vor.u32 $0x3F800000, v10  }
.Ltmp4:
0x98: {  	vm2 =	veq.s32 v12, $0x0;
	v10 =	vld [tilespmem:s28+$0x3800];
	v19 =	vmul.f32 $1.442695020e+00, v8;
	v6 =	vmul.f32 v15, v6;
	(pc) =	sbr.rel @p0 .LBB2_7-.Ltmp4, $4  }
0x99: {  	v13 =	vshra.s32 v13, $0x17;
	v12 =	vld [tilespmem:s28+$0x4000];
	v17 =	vmul.f32 $1.442695020e+00, v9;
	(erf) = vpow2.f32 v14  }
0x9a: {  	v5 =	vadd.s32 v5, v13;
	v14 =	vld [tilespmem:s28+$0x0];
	v13 =	vshra.s32 v6, $0x17;
	v6 =	vand.u32 $0x7FFFFF, v6  }
0x9b: {  	v15 =	vld [tilespmem:s28+$0x800];
	(erf) = vpow2.f32 v16;
	v5 =	vadd.s32 v13, v5;
	v6 =	vor.u32 $0x3F800000, v6  }
0x9c: {  	s26 =	sadd.s32 $0x4, s26;
	v16 =	vand.u32 $0x8, v1;
	v13 =	vld [tilespmem:s28+$0x1000];
	v18 =	vmul.f32 $1.442695020e+00, v11;
	(erf) = vpow2.f32 v19  }
0x9d: {  	v19 =	vld [tilespmem:s28+$0x2000];
	v20 =	vmul.f32 $1.442695020e+00, v10;
	(erf) = vpow2.f32 v17  }
0x9e: {  	v17 =	vld [tilespmem:s28+$0x2800];
	v21 =	vmul.f32 $1.442695020e+00, v12;
	(erf) = vpow2.f32 v18  }
0x9f: {  	v22 =	vld [tilespmem:s28+$0x3000];
	v49 =	vmul.f32 $1.442695020e+00, v14;
	(erf) = vpow2.f32 v20  }
0xa0: {  	v50 =	vmul.f32 $1.442695020e+00, v15;
	(erf) = vpow2.f32 v21  }
0xa1: {  	v51 =	vmul.f32 $1.442695020e+00, v13;
	(erf) = vpow2.f32 v49  }
0xa2: {  	v25 =	vld [tilespmem:s28+$0x5000];
	v52 =	vmul.f32 $1.442695020e+00, v19;
	(erf) = vpow2.f32 v50  }
0xa3: {  	v21 =	vld [tilespmem:s28+$0x4800];
	v20 =	vpop (erf);
	v23 =	vmul.f32 $1.442695020e+00, v17;
	(erf) = vpow2.f32 v51  }
0xa4: {  	v26 =	vld [tilespmem:s28+$0x6800];
	v24 =	vmul.f32 $1.442695020e+00, v22;
	(erf) = vpow2.f32 v52;
	v18 =	vpop (erf)  }
0xa5: {  	v27 =	vld [tilespmem:s28+$0x7000];
	(erf) = vpow2.f32 v23;
	v53 =	vpop (erf)  }
0xa6: {  	v32 =	vld [tilespmem:s28+$0x8800];
	(erf) = vpow2.f32 v24;
	v54 =	vpop (erf)  }
0xa7: {  	v35 =	vld [tilespmem:s28+$0x9000];
	v28 =	vpop (erf)  }
0xa8: {  	v30 =	vmul.f32 $1.442695020e+00, v21;
	v29 =	vpop (erf)  }
0xa9: {  	v33 =	vmul.f32 $1.442695020e+00, v25;
	v36 =	vmul.f32 $1.442695020e+00, v26;
	v31 =	vpop (erf)  }
0xaa: {  	v37 =	vmul.f32 $1.442695020e+00, v27;
	v39 =	vadd.f32 v19, v14;
	(erf) = vpow2.f32 v30;
	v34 =	vpop (erf)  }
0xab: {  	v40 =	vmul.f32 $1.442695020e+00, v32;
	v62 =	vadd.f32 v22, v13;
	(erf) = vpow2.f32 v33;
	v55 =	vpop (erf)  }
0xac: {  	v38 =	vadd.f32 v10, v11;
	v61 =	vmul.f32 $1.442695020e+00, v35;
	v56 =	vpop (erf);
	(erf) = vpow2.f32 v36  }
0xad: {  	v39 =	vadd.f32 v12, v39;
	v42 =	vadd.f32 v25, v62;
	v57 =	vpop (erf);
	(erf) = vpow2.f32 v37  }
0xae: {  	v63 =	vadd.f32 v8, v38;
	v58 =	vpop (erf);
	(erf) = vpow2.f32 v40  }
0xaf: {  	v39 =	vadd.f32 v9, v39;
	v38 =	vadd.f32 v27, v42;
	v59 =	vpop (erf);
	(erf) = vpow2.f32 v61  }
0xb0: {  	v60 =	vadd.f32 v17, v15  }
0xb1: {  	vm3 =	veq.s32 v16, $0x0;
	v39 =	vadd.f32 v4, v39;
	v44 =	vadd.f32 v35, v38  }
0xb2: {  	v1 =	vand.u32 $0x10, v1;
	v28 =	vadd.f32 v29, v28;
	v34 =	vadd.f32 v57, v34  }
0xb3: {  	vm15 =	veq.s32 v1, $0x0;
	v30 =	vadd.f32 v58, v55;
	v33 =	vadd.f32 v59, v56;
	v43 =	vpop (erf)  }
0xb4: {  	v46 =	vsel vm1, v14, v15;
	v51 =	vadd.f32 v53, v28;
	v31 =	vadd.f32 v31, v34;
	v45 =	vpop (erf)  }
0xb5: {  	v50 =	vsel vm1, v13, v11;
	v47 =	vadd.f32 v43, v30;
	v48 =	vadd.f32 v45, v33;
	v49 =	vpop (erf)  }
0xb6: {  	v17 =	vsel vm1, v19, v17;
	v37 =	vadd.f32 v21, v60;
	v52 =	vadd.f32 v54, v31;
	v53 =	vpop (erf)  }
0xb7: {  	v8 =	vsel vm1, v25, v8;
	v15 =	vadd.f32 v49, v47;
	v54 =	vadd.f32 v53, v48;
	v55 =	vpop (erf)  }
0xb8: {  	v11 =	vsel vm0, v46, v50;
	v13 =	vadd.f32 v20, v51;
	v18 =	vadd.f32 v18, v52;
	v57 =	vpop (erf)  }
0xb9: {  	v4 =	vsel vm1, v4, v32;
	v15 =	vadd.f32 v55, v15;
	v19 =	vadd.f32 v57, v54  }
0xba: {  	v4 =	vsel vm0, v4, v35;
	v36 =	vadd.f32 v7, v63;
	v37 =	vadd.f32 v26, v37  }
0xbb: {  	v7 =	vsel vm1, v27, v7;
	v15 =	vadd.f32 v15, v18;
	v13 =	vadd.f32 v19, v13  }
0xbc: {  	v58 =	vsel vm1, v12, v21;
	v56 =	vsel vm1, v22, v10;
	v59 =	vsel vm1, v9, v26  }
0xbd: {  	v8 =	vsel vm0, v58, v8;
	v10 =	vsel vm0, v17, v56;
	v62 =	vadd.f32 v13, v15  }
0xbe: {  	v37 =	vadd.f32 v32, v37;
	v7 =	vsel vm0, v59, v7;
	v61 =	vsel vm2, v11, v10  }
0xbf: {  	p0 =	seq.s32 s23, $0xF;
	v7 =	vsel vm2, v8, v7;
	v8 =	vadd.f32 v44, v36;
	v63 =	vand.u32 $0x7FFFFF, v62  }
.Ltmp5:
0xc0: {  	v60 =	vadd.f32 v37, v39;
	v7 =	vsel vm3, v61, v7;
	v1 =	vor.u32 $0x3F800000, v63;
	(pc) =	sbr.rel @p0 .LBB2_12-.Ltmp5, $4  }
0xc1: {  	v0 =	vadd.f32 v2, v0;
	v4 =	vsel vm15, v7, v4;
	v1 =	vmul.f32 v1, v6  }
0xc2: {  	v8 =	vadd.f32 v8, v60;
	v3 =	vadd.f32 v4, v3;
	v2 =	vshra.s32 v62, $0x17  }
0xc3: {  	s24 =	sshll.u32 s23, $0x1;
	v2 =	vadd.s32 v5, v2;
	v4 =	vshra.s32 v1, $0x17;
	v1 =	vand.u32 $0x7FFFFF, v1  }
0xc4: {  	s24 =	sadd.s32 s5, s24;
	v0 =	vadd.f32 v8, v0;
	v5 =	vadd.s32 v4, v2;
	v6 =	vor.u32 $0x3F800000, v1  }
0xc5: {  	s26 =	sadd.s32 $0x2, s24  }
0xc6: {  	s25 =	sshrl.u32 s26, $0x7  }
0xc7: {  	s26 =	sshll.u32 s26, $0xB;
	s28 =	smul.u32 $0x4C0000, s25  }
0xc8: {  	s26 =	sand.u32 $0x3F000, s26  }
0xc9: {  	s28 =	sor.u32 s26, s28  }
0xca: {  	s28 =	sshrl.u32 s28, $0x3  }
0xcb: {  	s28 =	sadd.s32 s2, s28  }
0xcc: {  	s29 =	simm.s32 $0x2000;
	s31 =	simm.s32 $0x0;
	s30 =	sadd.s32 $0x8000, s28  }
.LBB2_10:
0xcd: {  	[tilespmem:s31], [sflag:$0x1] =	stream.strided.gather [hbm4b:s28+s13], $0x800, s14, s13, $0x38;
	[tilespmem:$0x14080] =	vst v63  }
0xce: {  	s31 =	smov.u32 s29;
	s28 =	smov.u32 s30;
	p1 =	sne.s32 s29, $0x24000  }
.Ltmp6:
0xcf: {  	s29 =	sadd.s32 $0x2000, s29;
	(pc) =	sbr.rel @p1 .LBB2_10-.Ltmp6, $2  }
0xd0: {  	_ =	sdelay $0x2  }
0xd1: {  	s30 =	sadd.s32 $0x8000, s30;
	s31 =	sshra.s32 s31, $0x2  }
0xd2: {  	[tilespmem:s31], [sflag:$0x1] =	stream.strided.gather [hbm4b:s28+s13], $0x800, s14, s13, $0x38;
	[tilespmem:$0x14080] =	vst v63  }
0xd3: {  	s25 =	sshll.u32 s25, $0x12  }
0xd4: {  	s25 =	sor.u32 s26, s25  }
0xd5: {  	s25 =	sshrl.u32 s25, $0x3  }
0xd6: {  	s25 =	sadd.s32 s3, s25  }
0xd7: {  	[tilespmem:s15], [sflag:$0x1] =	stream.linear.gather [hbm4b:s25+s4], $0x800, $0x38;
	[tilespmem:$0x14080] =	vst v63  }
.LBB2_12:
0xd8: {  	_ =	swait.ge [sflag:s18], $0x9800  }
0xd9: {  	[sflag:s18] =	ssyncset.done $0x0  }
0xda: {  	[sflag:s18] =	ssyncadd.s32 $0xFFFF6800  }
0xdb: {  	s25 =	simm.s32 $0x0;
	s29 =	simm.s32 $0x0;
	_ =	swait.ge [sflag:s18], $0x800  }
0xdc: {  	s26 =	sand.u32 $0x600, s25;
	s28 =	sand.u32 $0x180, s25;
	[sflag:s18] =	ssyncset.done $0x0  }
0xdd: {  	s25 =	sand.u32 $0x70, s25;
	s26 =	sor.u32 s28, s26;
	[sflag:s18] =	ssyncadd.s32 $0xFFFFF800  }
0xde: {  	s25 =	sor.u32 s25, s26;
	v2 =	vld [tilespmem:s29+$0x13800]  }
0xdf: {  	v4 =	vld [tilespmem:s25+$0x11000]  }
0xe0: {  	v1 =	vld [tilespmem:s25+$0x11800]  }
0xe1: {  	v7 =	vld [tilespmem:s25+$0xF000]  }
0xe2: {  	v9 =	vld [tilespmem:s25+$0xB000]  }
0xe3: {  	v13 =	vld [tilespmem:s25+$0xD000]  }
0xe4: {  	v15 =	vld [tilespmem:s25+$0xD800]  }
0xe5: {  	v8 =	vld [tilespmem:s25+$0xF800]  }
0xe6: {  	v16 =	vld [tilespmem:s25+$0xA000]  }
0xe7: {  	v22 =	vld [tilespmem:s25+$0xE000];
	v10 =	vand.u32 $0x1, v2;
	v11 =	vand.u32 $0x2, v2;
	v12 =	vmul.f32 $1.442695020e+00, v4  }
0xe8: {  	v24 =	vld [tilespmem:s25+$0xE800];
	v14 =	vand.u32 $0x4, v2;
	v17 =	vmul.f32 $1.442695020e+00, v9;
	v19 =	vmul.f32 $1.442695020e+00, v13  }
0xe9: {  	v25 =	vld [tilespmem:s25+$0x10000];
	v21 =	vmul.f32 $1.442695020e+00, v15;
	vm1 =	veq.s32 v10, $0x0;
	v10 =	vmul.f32 $1.442695020e+00, v1  }
0xea: {  	vm0 =	veq.s32 v11, $0x0;
	v11 =	vmul.f32 $1.442695020e+00, v7;
	(erf) = vpow2.f32 v12;
	v12 =	vld [tilespmem:s25+$0x9800]  }
0xeb: {  	v27 =	vld [tilespmem:s25+$0x10800];
	vm3 =	veq.s32 v14, $0x0;
	v14 =	vmul.f32 $1.442695020e+00, v8;
	(erf) = vpow2.f32 v10  }
0xec: {  	v30 =	vmul.f32 $1.442695020e+00, v22;
	(erf) = vpow2.f32 v11;
	v11 =	vld [tilespmem:s25+$0xB800]  }
0xed: {  	v32 =	vmul.f32 $1.442695020e+00, v24;
	v10 =	vld [tilespmem:s25+$0xA800];
	(erf) = vpow2.f32 v14  }
0xee: {  	v29 =	vld [tilespmem:s25+$0x12000];
	v33 =	vmul.f32 $1.442695020e+00, v25;
	(erf) = vpow2.f32 v17  }
0xef: {  	v31 =	vld [tilespmem:s25+$0x12800];
	v17 =	vmul.f32 $1.442695020e+00, v12;
	(erf) = vpow2.f32 v19  }
0xf0: {  	v18 =	vand.u32 $0x8, v2;
	v14 =	vld [tilespmem:s25+$0xC000];
	v19 =	vmul.f32 $1.442695020e+00, v16;
	(erf) = vpow2.f32 v21  }
0xf1: {  	vm2 =	veq.s32 v18, $0x0;
	v18 =	vld [tilespmem:s25+$0xC800];
	(erf) = vpow2.f32 v17;
	v17 =	vmul.f32 $1.442695020e+00, v11  }
0xf2: {  	v20 =	vadd.f32 v13, v9;
	v60 =	vmul.f32 $1.442695020e+00, v27;
	v56 =	vmul.f32 $1.442695020e+00, v10  }
0xf3: {  	v61 =	vmul.f32 $1.442695020e+00, v29;
	(erf) = vpow2.f32 v19  }
0xf4: {  	v62 =	vmul.f32 $1.442695020e+00, v31;
	v20 =	vadd.f32 v7, v20;
	v19 =	vpop (erf);
	(erf) = vpow2.f32 v56  }
0xf5: {  	v26 =	vmul.f32 $1.442695020e+00, v14;
	(erf) = vpow2.f32 v17;
	v17 =	vpop (erf)  }
0xf6: {  	v7 =	vsel vm1, v24, v7;
	v20 =	vadd.f32 v4, v20;
	v57 =	vmul.f32 $1.442695020e+00, v18;
	v58 =	vpop (erf)  }
0xf7: {  	v23 =	vsel vm1, v12, v16;
	v16 =	vadd.f32 v14, v16;
	(erf) = vpow2.f32 v26;
	v59 =	vpop (erf)  }
0xf8: {  	v4 =	vsel vm1, v27, v4;
	v12 =	vadd.f32 v11, v12;
	(erf) = vpow2.f32 v57;
	v34 =	vpop (erf)  }
0xf9: {  	v13 =	vsel vm1, v18, v13;
	v16 =	vadd.f32 v22, v16;
	(erf) = vpow2.f32 v30;
	v35 =	vpop (erf)  }
0xfa: {  	v28 =	vadd.f32 v18, v10;
	v12 =	vadd.f32 v15, v12;
	(erf) = vpow2.f32 v32;
	v36 =	vpop (erf)  }
0xfb: {  	v9 =	vsel vm1, v10, v9;
	v16 =	vadd.f32 v25, v16;
	(erf) = vpow2.f32 v33;
	v37 =	vpop (erf)  }
0xfc: {  	v9 =	vsel vm0, v23, v9;
	v12 =	vadd.f32 v8, v12;
	(erf) = vpow2.f32 v60;
	v63 =	vpop (erf)  }
0xfd: {  	v11 =	vsel vm1, v11, v14;
	v16 =	vadd.f32 v29, v16;
	(erf) = vpow2.f32 v61;
	v10 =	vpop (erf)  }
0xfe: {  	v14 =	vsel vm1, v15, v22;
	v12 =	vadd.f32 v1, v12;
	(erf) = vpow2.f32 v62;
	v15 =	vpop (erf)  }
0xff: {  	v28 =	vadd.f32 v24, v28;
	v11 =	vsel vm0, v11, v13;
	v15 =	vadd.f32 v15, v37  }
0x100: {  	s31 =	simm.s32 $0x4;
	s25 =	simm.s32 $0x40;
	v7 =	vsel vm0, v14, v7;
	v9 =	vsel vm3, v9, v11;
	v12 =	vadd.f32 v16, v12;
	v18 =	vpop (erf)  }
0x101: {  	s26 =	simm.s32 $0x10;
	s29 =	sand.u32 $0x180, s31;
	s28 =	sand.u32 $0x600, s25;
	v8 =	vsel vm1, v8, v25;
	v16 =	vpop (erf);
	v18 =	vadd.f32 v18, v63;
	v15 =	vadd.f32 v36, v15  }
0x102: {  	s31 =	sand.u32 $0x70, s26;
	s28 =	sor.u32 s29, s28;
	v4 =	vsel vm0, v8, v4;
	v10 =	vadd.f32 v16, v10;
	v13 =	vpop (erf);
	v16 =	vadd.f32 v35, v34  }
0x103: {  	s29 =	sor.u32 s31, s28;
	v4 =	vsel vm3, v7, v4;
	v14 =	vpop (erf);
	v13 =	vadd.f32 v13, v18;
	v15 =	vadd.f32 v59, v15  }
0x104: {  	v9 =	vsel vm2, v9, v4;
	v4 =	vld [tilespmem:s29+$0x11800];
	v10 =	vadd.f32 v14, v10;
	v8 =	vpop (erf);
	v14 =	vadd.f32 v58, v16  }
0x105: {  	s30 =	simm.s32 $0x10;
	v28 =	vadd.f32 v27, v28;
	v11 =	vpop (erf);
	v8 =	vadd.f32 v8, v13  }
0x106: {  	v10 =	vadd.f32 v11, v10;
	v7 =	vpop (erf);
	v11 =	vadd.f32 v19, v14;
	v14 =	vsel vm1, v1, v29;
	v1 =	vld [tilespmem:s30+$0x13800]  }
0x107: {  	v28 =	vadd.f32 v31, v28;
	v13 =	vadd.f32 v17, v15;
	v15 =	vpop (erf)  }
0x108: {  	v2 =	vand.u32 $0x10, v2;
	v8 =	vadd.f32 v7, v8;
	v7 =	vld [tilespmem:s29+$0x11000];
	v10 =	vadd.f32 v15, v10  }
0x109: {  	v16 =	vmul.f32 $1.442695020e+00, v4;
	v14 =	vsel vm0, v14, v31;
	v15 =	vadd.f32 v28, v20  }
0x10a: {  	vm0 =	veq.s32 v2, $0x0;
	v13 =	vadd.f32 v8, v13;
	v8 =	vld [tilespmem:s29+$0xF000];
	v10 =	vadd.f32 v10, v11  }
0x10b: {  	v2 =	vadd.f32 v15, v12;
	v11 =	vsel vm0, v9, v14;
	v12 =	vand.u32 $0x4, v1  }
0x10c: {  	v9 =	vld [tilespmem:s29+$0xF800];
	v3 =	vadd.f32 v11, v3;
	v11 =	vand.u32 $0x2, v1;
	v13 =	vadd.f32 v10, v13  }
0x10d: {  	v14 =	vmul.f32 $1.442695020e+00, v7;
	vm2 =	veq.s32 v12, $0x0;
	v10 =	vand.u32 $0x1, v1  }
0x10e: {  	vm0 =	veq.s32 v11, $0x0;
	v11 =	vld [tilespmem:s29+$0xB000];
	vm1 =	veq.s32 v10, $0x0;
	v10 =	vand.u32 $0x7FFFFF, v13  }
0x10f: {  	v19 =	vmul.f32 $1.442695020e+00, v8;
	(erf) = vpow2.f32 v14;
	v15 =	vor.u32 $0x3F800000, v10;
	v10 =	vld [tilespmem:s29+$0xD000]  }
0x110: {  	v12 =	vld [tilespmem:s29+$0xD800];
	v13 =	vshra.s32 v13, $0x17;
	(erf) = vpow2.f32 v16;
	v6 =	vmul.f32 v15, v6  }
0x111: {  	v14 =	vld [tilespmem:s29+$0x9800];
	v16 =	vand.u32 $0x8, v1;
	v17 =	vmul.f32 $1.442695020e+00, v9;
	v5 =	vadd.s32 v5, v13  }
0x112: {  	(erf) = vpow2.f32 v19;
	v15 =	vld [tilespmem:s29+$0xA000];
	v13 =	vshra.s32 v6, $0x17;
	v6 =	vand.u32 $0x7FFFFF, v6  }
0x113: {  	s28 =	simm.s32 $0x8;
	v18 =	vmul.f32 $1.442695020e+00, v11;
	v5 =	vadd.s32 v13, v5;
	v6 =	vor.u32 $0x3F800000, v6;
	v13 =	vld [tilespmem:s29+$0xA800]  }
.LBB2_13:
0x114: {  	p1 =	sne.s32 s28, $0x1FC;
	v19 =	vld [tilespmem:s29+$0xB800];
	v20 =	vmul.f32 $1.442695020e+00, v10;
	v21 =	vadd.f32 v10, v11;
	(erf) = vpow2.f32 v17  }
0x115: {  	vm3 =	veq.s32 v16, $0x0;
	v17 =	vld [tilespmem:s29+$0xC000];
	v22 =	vmul.f32 $1.442695020e+00, v12;
	(erf) = vpow2.f32 v18  }
0x116: {  	v16 =	vmul.f32 $1.442695020e+00, v14;
	v18 =	vld [tilespmem:s29+$0xC800];
	v21 =	vadd.f32 v8, v21;
	(erf) = vpow2.f32 v20  }
0x117: {  	v27 =	vmul.f32 $1.442695020e+00, v15;
	v23 =	vld [tilespmem:s29+$0xE000];
	v24 =	vsel vm1, v14, v15;
	(erf) = vpow2.f32 v22  }
0x118: {  	v22 =	vmul.f32 $1.442695020e+00, v13;
	v25 =	vld [tilespmem:s29+$0xE800];
	v21 =	vadd.f32 v7, v21;
	(erf) = vpow2.f32 v16  }
0x119: {  	v31 =	vmul.f32 $1.442695020e+00, v19;
	v14 =	vadd.f32 v19, v14;
	v26 =	vld [tilespmem:s29+$0x10000];
	(erf) = vpow2.f32 v27;
	v20 =	vpop (erf)  }
0x11a: {  	v33 =	vmul.f32 $1.442695020e+00, v17;
	v15 =	vadd.f32 v17, v15;
	v28 =	vld [tilespmem:s29+$0x10800];
	(erf) = vpow2.f32 v22  }
0x11b: {  	v34 =	vmul.f32 $1.442695020e+00, v18;
	v29 =	vadd.f32 v18, v13;
	v30 =	vld [tilespmem:s29+$0x12000];
	(erf) = vpow2.f32 v31;
	v16 =	vpop (erf)  }
0x11c: {  	v14 =	vadd.f32 v12, v14;
	v31 =	vmul.f32 $1.442695020e+00, v23;
	v32 =	vld [tilespmem:s29+$0x12800];
	(erf) = vpow2.f32 v33;
	v27 =	vpop (erf)  }
0x11d: {  	v15 =	vadd.f32 v23, v15;
	v33 =	vmul.f32 $1.442695020e+00, v25;
	(erf) = vpow2.f32 v34;
	v22 =	vpop (erf)  }
0x11e: {  	v29 =	vadd.f32 v25, v29;
	v34 =	vmul.f32 $1.442695020e+00, v26;
	v35 =	vpop (erf);
	(erf) = vpow2.f32 v31  }
0x11f: {  	v14 =	vadd.f32 v9, v14;
	v39 =	vmul.f32 $1.442695020e+00, v28;
	v36 =	vpop (erf);
	(erf) = vpow2.f32 v33  }
0x120: {  	v15 =	vadd.f32 v26, v15;
	v33 =	vmul.f32 $1.442695020e+00, v30;
	v37 =	vpop (erf);
	(erf) = vpow2.f32 v34  }
0x121: {  	v29 =	vadd.f32 v28, v29;
	v34 =	vmul.f32 $1.442695020e+00, v32;
	v38 =	vpop (erf);
	(erf) = vpow2.f32 v39  }
0x122: {  	v14 =	vadd.f32 v4, v14;
	v15 =	vadd.f32 v30, v15;
	v31 =	vpop (erf);
	(erf) = vpow2.f32 v33  }
0x123: {  	v11 =	vsel vm1, v13, v11;
	v29 =	vadd.f32 v32, v29;
	v13 =	vpop (erf);
	(erf) = vpow2.f32 v34  }
0x124: {  	v17 =	vsel vm1, v19, v17;
	v10 =	vsel vm1, v18, v10;
	v12 =	vsel vm1, v12, v23;
	v18 =	vpop (erf)  }
0x125: {  	v8 =	vsel vm1, v25, v8;
	v9 =	vsel vm1, v9, v26;
	v7 =	vsel vm1, v28, v7;
	v19 =	vpop (erf)  }
0x126: {  	v11 =	vsel vm0, v24, v11;
	v14 =	vadd.f32 v15, v14;
	v18 =	vadd.f32 v18, v38;
	v15 =	vpop (erf)  }
0x127: {  	v10 =	vsel vm0, v17, v10;
	v19 =	vadd.f32 v19, v31;
	v13 =	vadd.f32 v15, v13;
	v15 =	vpop (erf)  }
0x128: {  	v8 =	vsel vm0, v12, v8;
	v17 =	vadd.f32 v36, v35;
	v18 =	vadd.f32 v37, v18;
	v12 =	vpop (erf)  }
0x129: {  	v23 =	vadd.f32 v15, v19;
	v19 =	vsel vm0, v9, v7;
	v12 =	vadd.f32 v12, v13;
	v9 =	vpop (erf)  }
0x12a: {  	s25 =	sadd.s32 $0x40, s25;
	v10 =	vsel vm2, v11, v10;
	v13 =	vadd.f32 v27, v17;
	v17 =	vadd.f32 v22, v18;
	v11 =	vpop (erf)  }
0x12b: {  	s30 =	sand.u32 $0x180, s28;
	s26 =	sadd.s32 $0x10, s26;
	s29 =	sand.u32 $0x600, s25;
	v8 =	vsel vm2, v8, v19;
	v9 =	vadd.f32 v9, v23;
	v11 =	vadd.f32 v11, v12;
	v7 =	vpop (erf)  }
0x12c: {  	s31 =	sshra.s32 s25, $0x2;
	s0 =	sand.u32 $0x70, s26;
	s29 =	sor.u32 s30, s29;
	v4 =	vsel vm1, v4, v30;
	v12 =	vadd.f32 v20, v13;
	v13 =	vadd.f32 v16, v17;
	v15 =	vpop (erf)  }
0x12d: {  	s29 =	sor.u32 s0, s29;
	v9 =	vadd.f32 v7, v9;
	v11 =	vadd.f32 v15, v11;
	v15 =	vand.u32 $0x10, v1;
	v1 =	vld [tilespmem:s31+$0x13800]  }
0x12e: {  	v10 =	vsel vm3, v10, v8;
	v16 =	vadd.f32 v29, v21;
	v17 =	vsel vm0, v4, v32;
	v7 =	vld [tilespmem:s29+$0x11000]  }
0x12f: {  	v13 =	vadd.f32 v9, v13;
	vm0 =	veq.s32 v15, $0x0;
	v4 =	vld [tilespmem:s29+$0x11800];
	v11 =	vadd.f32 v11, v12  }
0x130: {  	v0 =	vadd.f32 v2, v0;
	v2 =	vadd.f32 v16, v14;
	v10 =	vsel vm0, v10, v17;
	v8 =	vld [tilespmem:s29+$0xF000]  }
0x131: {  	v3 =	vadd.f32 v10, v3;
	v9 =	vld [tilespmem:s29+$0xF800];
	v13 =	vadd.f32 v11, v13  }
0x132: {  	v10 =	vand.u32 $0x1, v1;
	v11 =	vand.u32 $0x2, v1;
	v12 =	vand.u32 $0x4, v1  }
0x133: {  	vm1 =	veq.s32 v10, $0x0;
	vm0 =	veq.s32 v11, $0x0;
	v10 =	vand.u32 $0x7FFFFF, v13  }
0x134: {  	v14 =	vmul.f32 $1.442695020e+00, v7;
	v11 =	vld [tilespmem:s29+$0xB000];
	v16 =	vmul.f32 $1.442695020e+00, v4;
	v15 =	vor.u32 $0x3F800000, v10  }
.Ltmp7:
0x135: {  	vm2 =	veq.s32 v12, $0x0;
	v10 =	vld [tilespmem:s29+$0xD000];
	v19 =	vmul.f32 $1.442695020e+00, v8;
	v6 =	vmul.f32 v15, v6;
	(pc) =	sbr.rel @p1 .LBB2_13-.Ltmp7, $4  }
0x136: {  	v13 =	vshra.s32 v13, $0x17;
	v12 =	vld [tilespmem:s29+$0xD800];
	v17 =	vmul.f32 $1.442695020e+00, v9;
	(erf) = vpow2.f32 v14  }
0x137: {  	v5 =	vadd.s32 v5, v13;
	v14 =	vld [tilespmem:s29+$0x9800];
	v13 =	vshra.s32 v6, $0x17;
	v6 =	vand.u32 $0x7FFFFF, v6  }
0x138: {  	v15 =	vld [tilespmem:s29+$0xA000];
	(erf) = vpow2.f32 v16;
	v5 =	vadd.s32 v13, v5;
	v6 =	vor.u32 $0x3F800000, v6  }
0x139: {  	s28 =	sadd.s32 $0x4, s28;
	v16 =	vand.u32 $0x8, v1;
	v13 =	vld [tilespmem:s29+$0xA800];
	v18 =	vmul.f32 $1.442695020e+00, v11;
	(erf) = vpow2.f32 v19  }
0x13a: {  	v19 =	vld [tilespmem:s29+$0xB800];
	v20 =	vmul.f32 $1.442695020e+00, v10;
	(erf) = vpow2.f32 v17  }
0x13b: {  	v17 =	vld [tilespmem:s29+$0xC000];
	v21 =	vmul.f32 $1.442695020e+00, v12;
	(erf) = vpow2.f32 v18  }
0x13c: {  	v22 =	vld [tilespmem:s29+$0xC800];
	v49 =	vmul.f32 $1.442695020e+00, v14;
	(erf) = vpow2.f32 v20  }
0x13d: {  	v50 =	vmul.f32 $1.442695020e+00, v15;
	(erf) = vpow2.f32 v21  }
0x13e: {  	v51 =	vmul.f32 $1.442695020e+00, v13;
	(erf) = vpow2.f32 v49  }
0x13f: {  	v25 =	vld [tilespmem:s29+$0xE800];
	v52 =	vmul.f32 $1.442695020e+00, v19;
	(erf) = vpow2.f32 v50  }
0x140: {  	v21 =	vld [tilespmem:s29+$0xE000];
	v20 =	vpop (erf);
	v23 =	vmul.f32 $1.442695020e+00, v17;
	(erf) = vpow2.f32 v51  }
0x141: {  	v26 =	vld [tilespmem:s29+$0x10000];
	v24 =	vmul.f32 $1.442695020e+00, v22;
	(erf) = vpow2.f32 v52;
	v18 =	vpop (erf)  }
0x142: {  	v27 =	vld [tilespmem:s29+$0x10800];
	(erf) = vpow2.f32 v23;
	v53 =	vpop (erf)  }
0x143: {  	v32 =	vld [tilespmem:s29+$0x12000];
	(erf) = vpow2.f32 v24;
	v54 =	vpop (erf)  }
0x144: {  	v35 =	vld [tilespmem:s29+$0x12800];
	v28 =	vpop (erf)  }
0x145: {  	v30 =	vmul.f32 $1.442695020e+00, v21;
	v29 =	vpop (erf)  }
0x146: {  	v33 =	vmul.f32 $1.442695020e+00, v25;
	v36 =	vmul.f32 $1.442695020e+00, v26;
	v31 =	vpop (erf)  }
0x147: {  	v37 =	vmul.f32 $1.442695020e+00, v27;
	v39 =	vadd.f32 v19, v14;
	(erf) = vpow2.f32 v30;
	v34 =	vpop (erf)  }
0x148: {  	v40 =	vmul.f32 $1.442695020e+00, v32;
	v62 =	vadd.f32 v22, v13;
	(erf) = vpow2.f32 v33;
	v55 =	vpop (erf)  }
0x149: {  	v38 =	vadd.f32 v10, v11;
	v61 =	vmul.f32 $1.442695020e+00, v35;
	v56 =	vpop (erf);
	(erf) = vpow2.f32 v36  }
0x14a: {  	v39 =	vadd.f32 v12, v39;
	v42 =	vadd.f32 v25, v62;
	v57 =	vpop (erf);
	(erf) = vpow2.f32 v37  }
0x14b: {  	v63 =	vadd.f32 v8, v38;
	v58 =	vpop (erf);
	(erf) = vpow2.f32 v40  }
0x14c: {  	v39 =	vadd.f32 v9, v39;
	v38 =	vadd.f32 v27, v42;
	v59 =	vpop (erf);
	(erf) = vpow2.f32 v61  }
0x14d: {  	v60 =	vadd.f32 v17, v15  }
0x14e: {  	vm3 =	veq.s32 v16, $0x0;
	v39 =	vadd.f32 v4, v39;
	v44 =	vadd.f32 v35, v38  }
0x14f: {  	v1 =	vand.u32 $0x10, v1;
	v28 =	vadd.f32 v29, v28;
	v34 =	vadd.f32 v57, v34  }
0x150: {  	vm15 =	veq.s32 v1, $0x0;
	v30 =	vadd.f32 v58, v55;
	v33 =	vadd.f32 v59, v56;
	v43 =	vpop (erf)  }
0x151: {  	v46 =	vsel vm1, v14, v15;
	v51 =	vadd.f32 v53, v28;
	v31 =	vadd.f32 v31, v34;
	v45 =	vpop (erf)  }
0x152: {  	v50 =	vsel vm1, v13, v11;
	v47 =	vadd.f32 v43, v30;
	v48 =	vadd.f32 v45, v33;
	v49 =	vpop (erf)  }
0x153: {  	v17 =	vsel vm1, v19, v17;
	v37 =	vadd.f32 v21, v60;
	v52 =	vadd.f32 v54, v31;
	v53 =	vpop (erf)  }
0x154: {  	v8 =	vsel vm1, v25, v8;
	v15 =	vadd.f32 v49, v47;
	v54 =	vadd.f32 v53, v48;
	v55 =	vpop (erf)  }
0x155: {  	v11 =	vsel vm0, v46, v50;
	v13 =	vadd.f32 v20, v51;
	v18 =	vadd.f32 v18, v52;
	v57 =	vpop (erf)  }
0x156: {  	v4 =	vsel vm1, v4, v32;
	v15 =	vadd.f32 v55, v15;
	v19 =	vadd.f32 v57, v54  }
0x157: {  	v4 =	vsel vm0, v4, v35;
	v36 =	vadd.f32 v7, v63;
	v37 =	vadd.f32 v26, v37  }
0x158: {  	v7 =	vsel vm1, v27, v7;
	v15 =	vadd.f32 v15, v18;
	v13 =	vadd.f32 v19, v13  }
0x159: {  	v58 =	vsel vm1, v12, v21;
	v56 =	vsel vm1, v22, v10;
	v59 =	vsel vm1, v9, v26  }
0x15a: {  	v8 =	vsel vm0, v58, v8;
	v10 =	vsel vm0, v17, v56;
	v62 =	vadd.f32 v13, v15  }
0x15b: {  	v37 =	vadd.f32 v32, v37;
	v7 =	vsel vm0, v59, v7;
	v61 =	vsel vm2, v11, v10  }
0x15c: {  	v7 =	vsel vm2, v8, v7;
	v8 =	vadd.f32 v44, v36;
	v63 =	vand.u32 $0x7FFFFF, v62  }
.Ltmp8:
0x15d: {  	v60 =	vadd.f32 v37, v39;
	v7 =	vsel vm3, v61, v7;
	v1 =	vor.u32 $0x3F800000, v63;
	(pc) =	sbr.rel @p0 .LBB2_18-.Ltmp8, $4  }
0x15e: {  	v0 =	vadd.f32 v2, v0;
	v4 =	vsel vm15, v7, v4;
	v1 =	vmul.f32 v1, v6  }
0x15f: {  	v8 =	vadd.f32 v8, v60;
	v3 =	vadd.f32 v4, v3;
	v2 =	vshra.s32 v62, $0x17  }
0x160: {  	v2 =	vadd.s32 v5, v2;
	v4 =	vshra.s32 v1, $0x17;
	v1 =	vand.u32 $0x7FFFFF, v1  }
0x161: {  	v0 =	vadd.f32 v8, v0;
	v5 =	vadd.s32 v4, v2;
	v6 =	vor.u32 $0x3F800000, v1  }
0x162: {  	s0 =	sadd.s32 $0x3, s24  }
0x163: {  	s24 =	sshrl.u32 s0, $0x7  }
0x164: {  	s25 =	sshll.u32 s0, $0xB;
	s26 =	smul.u32 $0x4C0000, s24  }
0x165: {  	s0 =	sand.u32 $0x3F000, s25  }
0x166: {  	s0 =	sor.u32 s0, s26  }
0x167: {  	s0 =	sshrl.u32 s0, $0x3  }
0x168: {  	s31 =	simm.s32 $0x9800;
	s28 =	simm.s32 $0x2000;
	s26 =	sadd.s32 s0, s6  }
0x169: {  	[tilespmem:s31], [sflag:$0x2] =	stream.strided.gather [hbm4b:s26+s13], $0x800, s14, s13, $0x38;
	[tilespmem:$0x14080] =	vst v63  }
.LBB2_16:
0x16a: {  	p0 =	sne.s32 s28, $0x24000  }
.Ltmp9:
0x16b: {  	_ = 	snop;
	(pc) =	sbr.rel @p0 .LBB2_16-.Ltmp9, $4  }
0x16c: {  	_ = 	snop  }
0x16d: {  	s0 =	sshra.s32 s28, $0x2;
	s28 =	sadd.s32 $0x2000, s28  }
0x16e: {  	s26 =	sadd.s32 $0x8000, s26;
	s0 =	sadd.s32 $0x9800, s0  }
0x16f: {  	[tilespmem:s0], [sflag:$0x2] =	stream.strided.gather [hbm4b:s26+s13], $0x800, s14, s13, $0x38;
	[tilespmem:$0x14080] =	vst v63  }
.Ltmp10:
0x170: {  	s0 =	sand.u32 $0x3F800, s25;
	s24 =	sshll.u32 s24, $0x12;
	(pc) =	sbr.rel .LBB2_6-.Ltmp10, $4  }
0x171: {  	s0 =	sor.u32 s0, s24  }
0x172: {  	s0 =	sshrl.u32 s0, $0x3  }
0x173: {  	s23 =	sadd.s32 $0x1, s23;
	s0 =	sadd.s32 s3, s0  }
0x174: {  	[tilespmem:s16], [sflag:$0x2] =	stream.linear.gather [hbm4b:s0+s4], $0x800, $0x38;
	[tilespmem:$0x14080] =	vst v63  }
.LBB2_19:
0x175: {  	_ =	sfence.sel $0x180000  }
0x176: {  	[bflag:$0x0] =	sbarrier.arrive $0xFFFF  }
0x177: {  	_ =	strace $0x90000047  }
0x178: {  	[bflag:$0x2] =	sbarrier.arrive $0xFFFF  }
0x179: {  	p0 =	sne.s32 s1, $0x0;
	s0 =	rddreg [dreg:$0x2]  }
0x17a: {  	s0 =	sadd.s32 @!p0 $0x100000, s0  }
0x17b: {  	[sflag:s0] =	ssyncadd.tile.s32 @!p0 $0x1;
	_ =	shalt  }
.Lfunc_end2:
_tile_overlayer_lowered:
.L_overlay_start_2:
0x17c: {  	(tag) =	ssettag $0x2  }
0x17d: {  	s0 =	rddreg [dreg:$0x0];
	s2 =	stileid.u32  }
0x17e: {  	s1 =	rddreg [dreg:$0x1];
	p0 =	sne.s32 s2, $0x0  }
0x17f: {  	s3 =	rddreg [dreg:$0x2];
	[bflag:$0x3] =	sbarrier.arrive $0xFFFF;
	s2 =	simm.s32 @!p0 $0x1C03  }
0x180: {  	[timem:s3], [sflag:s2] =	dma.local @!p0 [hbm:s0], s1  }
0x181: {  	s0 =	simm.s32 @!p0 $0x3  }
0x182: {  	_ =	swait.ge @!p0 [sflag:s0], s1  }
0x183: {  	s1 =	ssub.s32 @!p0 $0x0, s1;
	[sflag:s0] =	ssyncset.done @!p0 $0x0  }
0x184: {  	[sflag:s0] =	ssyncadd.s32 @!p0 s1  }
0x185: {  	[bflag:$0x3] =	sbarrier.arrive $0xFFFF  }
0x186: {  	_ =	shalt  }

</sc_bundles>
